<compile_context>
chip_gen: v7x
topology: tpu7x:2x2x1
jax: 0.10.2.dev20260603
libtpu: 0.0.44.dev20260713+nightly
codegen_flags: <defaults>
</compile_context>

<pallas_src>
import functools

import jax
import jax.numpy as jnp
from jax import lax
from jax.experimental import pallas as pl
from jax.experimental.pallas import tpu as pltpu
from jax.experimental.pallas import tpu_sc as plsc

NUM_USERS = 1000000
NUM_ITEMS = 100000
EMB = 64
TEXT_DIM = 384
HID = 128
B = 4096
NNEG = 50
LANES = 128

_NC = 2
_NS = 16
_NW = _NC * _NS
_CH = 128
_JP = 56
_ITEM_ROWS = B * _JP
_CPW = _ITEM_ROWS // (_NW * _CH)



_K1_ROWS = 2048


def _item_tower_body(text_ref, w1_ref, b1_ref, w2_ref, b2_ref, idt_ref, out_ref):
    h = jnp.dot(text_ref[...], w1_ref[...], preferred_element_type=jnp.float32)
    h = jnp.maximum(h + b1_ref[...], 0.0)
    p = jnp.dot(h, w2_ref[...], preferred_element_type=jnp.float32)
    v = p + b2_ref[...] + idt_ref[...].T
    out_ref[...] = jnp.concatenate([v, jnp.zeros_like(v)], axis=1)


def _item_tower(text_emb, W1, b1, W2, b2, item_id_emb):
    grid = pl.cdiv(NUM_ITEMS, _K1_ROWS)
    return pl.pallas_call(
        _item_tower_body,
        grid=(grid,),
        in_specs=[
            pl.BlockSpec((_K1_ROWS, TEXT_DIM), lambda i: (i, 0)),
            pl.BlockSpec((TEXT_DIM, HID), lambda i: (0, 0)),
            pl.BlockSpec((1, HID), lambda i: (0, 0)),
            pl.BlockSpec((HID, EMB), lambda i: (0, 0)),
            pl.BlockSpec((1, EMB), lambda i: (0, 0)),
            pl.BlockSpec((EMB, _K1_ROWS), lambda i: (0, i)),
        ],
        out_specs=pl.BlockSpec((_K1_ROWS, LANES), lambda i: (i, 0)),
        out_shape=jax.ShapeDtypeStruct((NUM_ITEMS, LANES), jnp.float32),
    )(text_emb, W1, b1.reshape(1, HID), W2, b2.reshape(1, EMB),
      item_id_emb.T)




_NB = 7


def _sc_gather_body(proj_hbm, idx_hbm, item_out, idx_v, *rest):
    bufs = rest[:_NB]
    gsem = rest[_NB:2 * _NB]
    wsem = rest[2 * _NB:]
    w = lax.axis_index("s") * _NC + lax.axis_index("c")
    ipw = _CPW * _CH
    pltpu.sync_copy(idx_hbm.at[pl.ds(pl.multiple_of(w * ipw, _CH), ipw)], idx_v)

    def gstart(c, k):
        sl = pl.ds(pl.multiple_of(c * _CH, _CH), _CH)
        pltpu.async_copy(proj_hbm.at[idx_v.at[sl]], bufs[k], gsem[k])

    def gwait(k):
        pltpu.make_async_copy(proj_hbm.at[idx_v.at[pl.ds(0, _CH)]], bufs[k],
                              gsem[k]).wait()

    def wstart(c, k):
        out_sl = pl.ds(pl.multiple_of((w * _CPW + c) * _CH, _CH), _CH)
        pltpu.async_copy(bufs[k], item_out.at[out_sl], wsem[k])

    def wwait(k):
        pltpu.make_async_copy(bufs[k], item_out.at[pl.ds(0, _CH)],
                              wsem[k]).wait()

    for k in range(_NB):
        gstart(k, k)

    def body(p, carry):
        c = _NB * p
        for k in range(_NB):
            gwait(k)
            wstart(c + k, k)
        for k in range(_NB):
            wwait(k)
            gstart(c + _NB + k, k)
        return carry

    lax.fori_loop(0, _CPW // _NB - 1, body, 0)
    for k in range(_NB):
        gwait(k)
        wstart(_CPW - _NB + k, k)
    for k in range(_NB):
        wwait(k)


def _sc_gather(proj, idx_all):
    mesh = plsc.VectorSubcoreMesh(core_axis_name="c", subcore_axis_name="s")
    kern = functools.partial(
        pl.kernel,
        mesh=mesh,
        out_type=jax.ShapeDtypeStruct((_ITEM_ROWS, LANES), jnp.float32),
        scratch_types=(
            [pltpu.VMEM((_CPW * _CH,), jnp.int32)]
            + [pltpu.VMEM((_CH, LANES), jnp.float32) for _ in range(_NB)]
            + [pltpu.SemaphoreType.DMA for _ in range(2 * _NB)]
        ),
    )(_sc_gather_body)
    return kern(proj, idx_all)




_SB = 512


def _score_body(item_ref, user_ref, out_ref):
    out_ref[...] = jnp.sum(item_ref[...] * user_ref[...][:, None, :], axis=2)


def _score(item_g3, user_pad):
    return pl.pallas_call(
        _score_body,
        grid=(B // _SB,),
        in_specs=[
            pl.BlockSpec((_SB, _JP, LANES), lambda i: (i, 0, 0)),
            pl.BlockSpec((_SB, LANES), lambda i: (i, 0)),
        ],
        out_specs=pl.BlockSpec((_SB, _JP), lambda i: (i, 0)),
        out_shape=jax.ShapeDtypeStruct((B, _JP), jnp.float32),
    )(item_g3, user_pad)


def kernel(user_idx, pos_item_idx, neg_item_indices, user_emb, text_emb,
           W1, b1, W2, b2, item_id_emb):
    proj = _item_tower(text_emb, W1, b1, W2, b2, item_id_emb)
    idx_all = jnp.concatenate(
        [pos_item_idx[:, None], neg_item_indices,
         jnp.broadcast_to(pos_item_idx[:, None], (B, _JP - NNEG - 1))],
        axis=1).reshape(-1)
    item_g = _sc_gather(proj, idx_all)
    uidx_grid = jnp.broadcast_to(user_idx[None, :], (EMB, B))
    user_vec = jnp.take_along_axis(user_emb.T, uidx_grid, axis=1).T
    user_pad = jnp.pad(user_vec, ((0, 0), (0, LANES - EMB)))
    scores = _score(item_g.reshape(B, _JP, LANES), user_pad)
    return (scores[:, 0], scores[:, 1:NNEG + 1])

# --- scband reference (transcript-rebuilt; emitter-appended) ---
"""Pipeline reference for scband-two-tower-recommender-82557861364176 (READ-ONLY COPY).

The authoritative reference and input builder live on the scoring server;
editing this copy changes nothing except your own understanding.
"""

import jax, jax.numpy as jnp
import numpy as np

NUM_USERS = 1000000
NUM_ITEMS = 100000
EMB = 64
TEXT_DIM = 384
HID = 128
B = 4096
NNEG = 50


def setup_inputs(seed: int = 0) -> dict:
    key = jax.random.key(seed)
    ks = jax.random.split(key, 12)
    inp = {}
    inp['user_idx'] = jax.random.randint(ks[0], (B,), 0, NUM_USERS, dtype=jnp.int32)
    inp['pos_item_idx'] = jax.random.randint(ks[1], (B,), 0, NUM_ITEMS, dtype=jnp.int32)
    inp['neg_item_indices'] = jax.random.randint(ks[2], (B, NNEG), 0, NUM_ITEMS, dtype=jnp.int32)
    # learned / loaded parameters
    inp['user_emb'] = jax.random.normal(ks[3], (NUM_USERS, EMB), dtype=jnp.float32) * 0.02
    inp['text_emb'] = jax.random.normal(ks[4], (NUM_ITEMS, TEXT_DIM), dtype=jnp.float32) * 0.02  # frozen pretrained
    inp['W1'] = jax.random.normal(ks[5], (TEXT_DIM, HID), dtype=jnp.float32) * (1.0 / np.sqrt(TEXT_DIM))
    inp['b1'] = jnp.zeros((HID,), dtype=jnp.float32)
    inp['W2'] = jax.random.normal(ks[6], (HID, EMB), dtype=jnp.float32) * (1.0 / np.sqrt(HID))
    inp['b2'] = jnp.zeros((EMB,), dtype=jnp.float32)
    inp['item_id_emb'] = jax.random.normal(ks[7], (NUM_ITEMS, EMB), dtype=jnp.float32) * 0.02
    return inp


def _item_vector(idx, text_emb, W1, b1, W2, b2, item_id_emb):
    t = jnp.take(text_emb, idx, axis=0)
    h = jnp.maximum(t @ W1 + b1, 0.0)
    proj = h @ W2 + b2
    return proj + jnp.take(item_id_emb, idx, axis=0)


def reference(user_idx, pos_item_idx, neg_item_indices, user_emb, text_emb, W1, b1, W2, b2, item_id_emb):
    user_vec = jnp.take(user_emb, user_idx, axis=0)                      # [B, EMB]
    pos_item_vec = _item_vector(pos_item_idx, text_emb, W1, b1, W2, b2, item_id_emb)   # [B, EMB]
    neg_item_vecs = _item_vector(neg_item_indices, text_emb, W1, b1, W2, b2, item_id_emb)  # [B, NNEG, EMB]
    pos_scores = jnp.sum(user_vec * pos_item_vec, axis=1)                # [B]
    neg_scores = jnp.einsum('bnd,bd->bn', neg_item_vecs, user_vec)       # [B, NNEG] (bmm)
    return (pos_scores, neg_scores)

if __name__ == "__main__":
    import jax
    _d = setup_inputs()
    print(jax.jit(kernel)(*tuple(_d.values())))

</pallas_src>

<mosaic_0001>
#map = affine_map<(d0, d1) -> (0, 0)>
#map1 = affine_map<(d0, d1) -> (0)>
module attributes {stable_mosaic.version = 14 : i64} {
  func.func @_sc_gather_body(%arg0: i32, %arg1: i32, %arg2: memref<100000x128xf32, #tpu.memory_space<hbm>>, %arg3: memref<229376xi32, #tpu.memory_space<hbm>>, %arg4: memref<229376x128xf32, #tpu.memory_space<hbm>>, %arg5: memref<7168xi32, #tpu.memory_space<vmem>>, %arg6: memref<128x128xf32, #tpu.memory_space<vmem>>, %arg7: memref<128x128xf32, #tpu.memory_space<vmem>>, %arg8: memref<128x128xf32, #tpu.memory_space<vmem>>, %arg9: memref<128x128xf32, #tpu.memory_space<vmem>>, %arg10: memref<128x128xf32, #tpu.memory_space<vmem>>, %arg11: memref<128x128xf32, #tpu.memory_space<vmem>>, %arg12: memref<128x128xf32, #tpu.memory_space<vmem>>, %arg13: memref<!tpu.dma_semaphore, #tpu.memory_space<semaphore_mem>>, %arg14: memref<!tpu.dma_semaphore, #tpu.memory_space<semaphore_mem>>, %arg15: memref<!tpu.dma_semaphore, #tpu.memory_space<semaphore_mem>>, %arg16: memref<!tpu.dma_semaphore, #tpu.memory_space<semaphore_mem>>, %arg17: memref<!tpu.dma_semaphore, #tpu.memory_space<semaphore_mem>>, %arg18: memref<!tpu.dma_semaphore, #tpu.memory_space<semaphore_mem>>, %arg19: memref<!tpu.dma_semaphore, #tpu.memory_space<semaphore_mem>>, %arg20: memref<!tpu.dma_semaphore, #tpu.memory_space<semaphore_mem>>, %arg21: memref<!tpu.dma_semaphore, #tpu.memory_space<semaphore_mem>>, %arg22: memref<!tpu.dma_semaphore, #tpu.memory_space<semaphore_mem>>, %arg23: memref<!tpu.dma_semaphore, #tpu.memory_space<semaphore_mem>>, %arg24: memref<!tpu.dma_semaphore, #tpu.memory_space<semaphore_mem>>, %arg25: memref<!tpu.dma_semaphore, #tpu.memory_space<semaphore_mem>>, %arg26: memref<!tpu.dma_semaphore, #tpu.memory_space<semaphore_mem>>) attributes {dimension_semantics = [#tpu.dimension_semantics<core_parallel>, #tpu.dimension_semantics<subcore_parallel>], iteration_bounds = array<i64: 2, 16>, scalar_prefetch = 0 : i64, scratch_operands = 22 : i64, tpu.core_type = #tpu.core_type<sc_vector_subcore>, window_params = [{transform_indices = #map}, {transform_indices = #map1}, {transform_indices = #map}]} {
    %mul3A = arith.constant 2 : i32
    %mul3A_0 = arith.muli %arg1, %mul3A : i32
    %add3A = arith.addi %mul3A_0, %arg0 : i32
    %mul3A_1 = arith.constant 7168 : i32
    %mul3A_2 = arith.muli %add3A, %mul3A_1 : i32
    %multiple_of3A = tpu.assume_multiple %mul3A_2, 128 : i32
    "tpu.region"() ({
      %run_scoped3A = tpu.sem_alloc : memref<!tpu.dma_semaphore, #tpu.memory_space<semaphore_mem>>
      %dma_start3A_202 = tpu.memref_slice %arg3[%multiple_of3A] : memref<229376xi32, #tpu.memory_space<hbm>> -> memref<7168xi32, #tpu.memory_space<hbm>>
      %dma_start3A_203 = tpu.memref_slice %arg3[%multiple_of3A] : memref<229376xi32, #tpu.memory_space<hbm>> -> memref<7168xi32, #tpu.memory_space<hbm>>
      tpu.enqueue_dma source(%dma_start3A_203 : memref<7168xi32, #tpu.memory_space<hbm>>) target(%arg5 : memref<7168xi32, #tpu.memory_space<vmem>>) target_semaphore(%run_scoped3A : memref<!tpu.dma_semaphore, #tpu.memory_space<semaphore_mem>>)
      %dma_wait3A_204 = tpu.memref_slice %arg3[%multiple_of3A] : memref<229376xi32, #tpu.memory_space<hbm>> -> memref<7168xi32, #tpu.memory_space<hbm>>
      %dma_wait3A_205 = tpu.memref_slice %arg3[%multiple_of3A] : memref<229376xi32, #tpu.memory_space<hbm>> -> memref<7168xi32, #tpu.memory_space<hbm>>
      tpu.wait_dma2 semaphore(%run_scoped3A : memref<!tpu.dma_semaphore, #tpu.memory_space<semaphore_mem>>) src(%dma_wait3A_205 : memref<7168xi32, #tpu.memory_space<hbm>>) dst(%arg5 : memref<7168xi32, #tpu.memory_space<vmem>>)
      tpu.yield
    }) : () -> ()
    %multiple_of3A_3 = arith.constant 0 : i32
    %multiple_of3A_4 = tpu.assume_multiple %multiple_of3A_3, 128 : i32
    %dma_start3A = tpu.memref_slice %arg5[%multiple_of3A_4] : memref<7168xi32, #tpu.memory_space<vmem>> -> memref<128xi32, #tpu.memory_space<vmem>>
    %dma_start3A_5 = arith.constant 0 : i32
    %dma_start3A_6 = arith.constant 0 : i32
    %dma_start3A_7 = tpu.memref_slice %arg2[%dma_start3A_5, %dma_start3A_6] : memref<100000x128xf32, #tpu.memory_space<hbm>> -> memref<100000x128xf32, #tpu.memory_space<hbm>>
    tpu.enqueue_indirect_dma source(%dma_start3A_7 : memref<100000x128xf32, #tpu.memory_space<hbm>>) target(%arg6 : memref<128x128xf32, #tpu.memory_space<vmem>>) offsets(%dma_start3A : memref<128xi32, #tpu.memory_space<vmem>>) semaphore(%arg13 : memref<!tpu.dma_semaphore, #tpu.memory_space<semaphore_mem>>)
    %multiple_of3A_8 = arith.constant 128 : i32
    %multiple_of3A_9 = tpu.assume_multiple %multiple_of3A_8, 128 : i32
    %dma_start3A_10 = tpu.memref_slice %arg5[%multiple_of3A_9] : memref<7168xi32, #tpu.memory_space<vmem>> -> memref<128xi32, #tpu.memory_space<vmem>>
    %dma_start3A_11 = arith.constant 0 : i32
    %dma_start3A_12 = arith.constant 0 : i32
    %dma_start3A_13 = tpu.memref_slice %arg2[%dma_start3A_11, %dma_start3A_12] : memref<100000x128xf32, #tpu.memory_space<hbm>> -> memref<100000x128xf32, #tpu.memory_space<hbm>>
    tpu.enqueue_indirect_dma source(%dma_start3A_13 : memref<100000x128xf32, #tpu.memory_space<hbm>>) target(%arg7 : memref<128x128xf32, #tpu.memory_space<vmem>>) offsets(%dma_start3A_10 : memref<128xi32, #tpu.memory_space<vmem>>) semaphore(%arg14 : memref<!tpu.dma_semaphore, #tpu.memory_space<semaphore_mem>>)
    %multiple_of3A_14 = arith.constant 256 : i32
    %multiple_of3A_15 = tpu.assume_multiple %multiple_of3A_14, 128 : i32
    %dma_start3A_16 = tpu.memref_slice %arg5[%multiple_of3A_15] : memref<7168xi32, #tpu.memory_space<vmem>> -> memref<128xi32, #tpu.memory_space<vmem>>
    %dma_start3A_17 = arith.constant 0 : i32
    %dma_start3A_18 = arith.constant 0 : i32
    %dma_start3A_19 = tpu.memref_slice %arg2[%dma_start3A_17, %dma_start3A_18] : memref<100000x128xf32, #tpu.memory_space<hbm>> -> memref<100000x128xf32, #tpu.memory_space<hbm>>
    tpu.enqueue_indirect_dma source(%dma_start3A_19 : memref<100000x128xf32, #tpu.memory_space<hbm>>) target(%arg8 : memref<128x128xf32, #tpu.memory_space<vmem>>) offsets(%dma_start3A_16 : memref<128xi32, #tpu.memory_space<vmem>>) semaphore(%arg15 : memref<!tpu.dma_semaphore, #tpu.memory_space<semaphore_mem>>)
    %multiple_of3A_20 = arith.constant 384 : i32
    %multiple_of3A_21 = tpu.assume_multiple %multiple_of3A_20, 128 : i32
    %dma_start3A_22 = tpu.memref_slice %arg5[%multiple_of3A_21] : memref<7168xi32, #tpu.memory_space<vmem>> -> memref<128xi32, #tpu.memory_space<vmem>>
    %dma_start3A_23 = arith.constant 0 : i32
    %dma_start3A_24 = arith.constant 0 : i32
    %dma_start3A_25 = tpu.memref_slice %arg2[%dma_start3A_23, %dma_start3A_24] : memref<100000x128xf32, #tpu.memory_space<hbm>> -> memref<100000x128xf32, #tpu.memory_space<hbm>>
    tpu.enqueue_indirect_dma source(%dma_start3A_25 : memref<100000x128xf32, #tpu.memory_space<hbm>>) target(%arg9 : memref<128x128xf32, #tpu.memory_space<vmem>>) offsets(%dma_start3A_22 : memref<128xi32, #tpu.memory_space<vmem>>) semaphore(%arg16 : memref<!tpu.dma_semaphore, #tpu.memory_space<semaphore_mem>>)
    %multiple_of3A_26 = arith.constant 512 : i32
    %multiple_of3A_27 = tpu.assume_multiple %multiple_of3A_26, 128 : i32
    %dma_start3A_28 = tpu.memref_slice %arg5[%multiple_of3A_27] : memref<7168xi32, #tpu.memory_space<vmem>> -> memref<128xi32, #tpu.memory_space<vmem>>
    %dma_start3A_29 = arith.constant 0 : i32
    %dma_start3A_30 = arith.constant 0 : i32
    %dma_start3A_31 = tpu.memref_slice %arg2[%dma_start3A_29, %dma_start3A_30] : memref<100000x128xf32, #tpu.memory_space<hbm>> -> memref<100000x128xf32, #tpu.memory_space<hbm>>
    tpu.enqueue_indirect_dma source(%dma_start3A_31 : memref<100000x128xf32, #tpu.memory_space<hbm>>) target(%arg10 : memref<128x128xf32, #tpu.memory_space<vmem>>) offsets(%dma_start3A_28 : memref<128xi32, #tpu.memory_space<vmem>>) semaphore(%arg17 : memref<!tpu.dma_semaphore, #tpu.memory_space<semaphore_mem>>)
    %multiple_of3A_32 = arith.constant 640 : i32
    %multiple_of3A_33 = tpu.assume_multiple %multiple_of3A_32, 128 : i32
    %dma_start3A_34 = tpu.memref_slice %arg5[%multiple_of3A_33] : memref<7168xi32, #tpu.memory_space<vmem>> -> memref<128xi32, #tpu.memory_space<vmem>>
    %dma_start3A_35 = arith.constant 0 : i32
    %dma_start3A_36 = arith.constant 0 : i32
    %dma_start3A_37 = tpu.memref_slice %arg2[%dma_start3A_35, %dma_start3A_36] : memref<100000x128xf32, #tpu.memory_space<hbm>> -> memref<100000x128xf32, #tpu.memory_space<hbm>>
    tpu.enqueue_indirect_dma source(%dma_start3A_37 : memref<100000x128xf32, #tpu.memory_space<hbm>>) target(%arg11 : memref<128x128xf32, #tpu.memory_space<vmem>>) offsets(%dma_start3A_34 : memref<128xi32, #tpu.memory_space<vmem>>) semaphore(%arg18 : memref<!tpu.dma_semaphore, #tpu.memory_space<semaphore_mem>>)
    %multiple_of3A_38 = arith.constant 768 : i32
    %multiple_of3A_39 = tpu.assume_multiple %multiple_of3A_38, 128 : i32
    %dma_start3A_40 = tpu.memref_slice %arg5[%multiple_of3A_39] : memref<7168xi32, #tpu.memory_space<vmem>> -> memref<128xi32, #tpu.memory_space<vmem>>
    %dma_start3A_41 = arith.constant 0 : i32
    %dma_start3A_42 = arith.constant 0 : i32
    %dma_start3A_43 = tpu.memref_slice %arg2[%dma_start3A_41, %dma_start3A_42] : memref<100000x128xf32, #tpu.memory_space<hbm>> -> memref<100000x128xf32, #tpu.memory_space<hbm>>
    tpu.enqueue_indirect_dma source(%dma_start3A_43 : memref<100000x128xf32, #tpu.memory_space<hbm>>) target(%arg12 : memref<128x128xf32, #tpu.memory_space<vmem>>) offsets(%dma_start3A_40 : memref<128xi32, #tpu.memory_space<vmem>>) semaphore(%arg19 : memref<!tpu.dma_semaphore, #tpu.memory_space<semaphore_mem>>)
    %scan3A = arith.constant 0 : i32
    %scan3A_44 = arith.constant 0 : i32
    %scan3A_45 = arith.constant 7 : i32
    %scan3A_46 = arith.addi %scan3A_44, %scan3A_45 : i32
    %scan3A_47 = arith.constant 1 : i32
    scf.for %scan3A_202 = %scan3A_44 to %scan3A_46 step %scan3A_47  : i32 {
      %mul3A_203 = arith.constant 7 : i32
      %mul3A_204 = arith.muli %mul3A_203, %scan3A_202 : i32
      %dma_wait3A_205 = arith.constant 0 : i32
      %dma_wait3A_206 = tpu.memref_slice %arg5[%dma_wait3A_205] : memref<7168xi32, #tpu.memory_space<vmem>> -> memref<128xi32, #tpu.memory_space<vmem>>
      %dma_wait3A_207 = arith.constant 0 : i32
      %dma_wait3A_208 = arith.constant 0 : i32
      %dma_wait3A_209 = tpu.memref_slice %arg2[%dma_wait3A_207, %dma_wait3A_208] : memref<100000x128xf32, #tpu.memory_space<hbm>> -> memref<100000x128xf32, #tpu.memory_space<hbm>>
      tpu.wait_indirect_dma semaphore(%arg13 : memref<!tpu.dma_semaphore, #tpu.memory_space<semaphore_mem>>) src(%dma_wait3A_209 : memref<100000x128xf32, #tpu.memory_space<hbm>>) dst(%arg6 : memref<128x128xf32, #tpu.memory_space<vmem>>)
      %add3A_210 = arith.constant 0 : i32
      %add3A_211 = arith.addi %mul3A_204, %add3A_210 : i32
      %mul3A_212 = arith.constant 56 : i32
      %mul3A_213 = arith.muli %add3A, %mul3A_212 : i32
      %add3A_214 = arith.addi %mul3A_213, %add3A_211 : i32
      %mul3A_215 = arith.constant 128 : i32
      %mul3A_216 = arith.muli %add3A_214, %mul3A_215 : i32
      %multiple_of3A_217 = tpu.assume_multiple %mul3A_216, 128 : i32
      %dma_start3A_218 = arith.constant 0 : i32
      %dma_start3A_219 = tpu.memref_slice %arg4[%multiple_of3A_217, %dma_start3A_218] : memref<229376x128xf32, #tpu.memory_space<hbm>> -> memref<128x128xf32, #tpu.memory_space<hbm>>
      %dma_start3A_220 = arith.constant 0 : i32
      %dma_start3A_221 = tpu.memref_slice %arg4[%multiple_of3A_217, %dma_start3A_220] : memref<229376x128xf32, #tpu.memory_space<hbm>> -> memref<128x128xf32, #tpu.memory_space<hbm>>
      tpu.enqueue_dma source(%arg6 : memref<128x128xf32, #tpu.memory_space<vmem>>) target(%dma_start3A_221 : memref<128x128xf32, #tpu.memory_space<hbm>>) target_semaphore(%arg20 : memref<!tpu.dma_semaphore, #tpu.memory_space<semaphore_mem>>)
      %dma_wait3A_222 = arith.constant 0 : i32
      %dma_wait3A_223 = tpu.memref_slice %arg5[%dma_wait3A_222] : memref<7168xi32, #tpu.memory_space<vmem>> -> memref<128xi32, #tpu.memory_space<vmem>>
      %dma_wait3A_224 = arith.constant 0 : i32
      %dma_wait3A_225 = arith.constant 0 : i32
      %dma_wait3A_226 = tpu.memref_slice %arg2[%dma_wait3A_224, %dma_wait3A_225] : memref<100000x128xf32, #tpu.memory_space<hbm>> -> memref<100000x128xf32, #tpu.memory_space<hbm>>
      tpu.wait_indirect_dma semaphore(%arg14 : memref<!tpu.dma_semaphore, #tpu.memory_space<semaphore_mem>>) src(%dma_wait3A_226 : memref<100000x128xf32, #tpu.memory_space<hbm>>) dst(%arg7 : memref<128x128xf32, #tpu.memory_space<vmem>>)
      %add3A_227 = arith.constant 1 : i32
      %add3A_228 = arith.addi %mul3A_204, %add3A_227 : i32
      %mul3A_229 = arith.constant 56 : i32
      %mul3A_230 = arith.muli %add3A, %mul3A_229 : i32
      %add3A_231 = arith.addi %mul3A_230, %add3A_228 : i32
      %mul3A_232 = arith.constant 128 : i32
      %mul3A_233 = arith.muli %add3A_231, %mul3A_232 : i32
      %multiple_of3A_234 = tpu.assume_multiple %mul3A_233, 128 : i32
      %dma_start3A_235 = arith.constant 0 : i32
      %dma_start3A_236 = tpu.memref_slice %arg4[%multiple_of3A_234, %dma_start3A_235] : memref<229376x128xf32, #tpu.memory_space<hbm>> -> memref<128x128xf32, #tpu.memory_space<hbm>>
      %dma_start3A_237 = arith.constant 0 : i32
      %dma_start3A_238 = tpu.memref_slice %arg4[%multiple_of3A_234, %dma_start3A_237] : memref<229376x128xf32, #tpu.memory_space<hbm>> -> memref<128x128xf32, #tpu.memory_space<hbm>>
      tpu.enqueue_dma source(%arg7 : memref<128x128xf32, #tpu.memory_space<vmem>>) target(%dma_start3A_238 : memref<128x128xf32, #tpu.memory_space<hbm>>) target_semaphore(%arg21 : memref<!tpu.dma_semaphore, #tpu.memory_space<semaphore_mem>>)
      %dma_wait3A_239 = arith.constant 0 : i32
      %dma_wait3A_240 = tpu.memref_slice %arg5[%dma_wait3A_239] : memref<7168xi32, #tpu.memory_space<vmem>> -> memref<128xi32, #tpu.memory_space<vmem>>
      %dma_wait3A_241 = arith.constant 0 : i32
      %dma_wait3A_242 = arith.constant 0 : i32
      %dma_wait3A_243 = tpu.memref_slice %arg2[%dma_wait3A_241, %dma_wait3A_242] : memref<100000x128xf32, #tpu.memory_space<hbm>> -> memref<100000x128xf32, #tpu.memory_space<hbm>>
      tpu.wait_indirect_dma semaphore(%arg15 : memref<!tpu.dma_semaphore, #tpu.memory_space<semaphore_mem>>) src(%dma_wait3A_243 : memref<100000x128xf32, #tpu.memory_space<hbm>>) dst(%arg8 : memref<128x128xf32, #tpu.memory_space<vmem>>)
      %add3A_244 = arith.constant 2 : i32
      %add3A_245 = arith.addi %mul3A_204, %add3A_244 : i32
      %mul3A_246 = arith.constant 56 : i32
      %mul3A_247 = arith.muli %add3A, %mul3A_246 : i32
      %add3A_248 = arith.addi %mul3A_247, %add3A_245 : i32
      %mul3A_249 = arith.constant 128 : i32
      %mul3A_250 = arith.muli %add3A_248, %mul3A_249 : i32
      %multiple_of3A_251 = tpu.assume_multiple %mul3A_250, 128 : i32
      %dma_start3A_252 = arith.constant 0 : i32
      %dma_start3A_253 = tpu.memref_slice %arg4[%multiple_of3A_251, %dma_start3A_252] : memref<229376x128xf32, #tpu.memory_space<hbm>> -> memref<128x128xf32, #tpu.memory_space<hbm>>
      %dma_start3A_254 = arith.constant 0 : i32
      %dma_start3A_255 = tpu.memref_slice %arg4[%multiple_of3A_251, %dma_start3A_254] : memref<229376x128xf32, #tpu.memory_space<hbm>> -> memref<128x128xf32, #tpu.memory_space<hbm>>
      tpu.enqueue_dma source(%arg8 : memref<128x128xf32, #tpu.memory_space<vmem>>) target(%dma_start3A_255 : memref<128x128xf32, #tpu.memory_space<hbm>>) target_semaphore(%arg22 : memref<!tpu.dma_semaphore, #tpu.memory_space<semaphore_mem>>)
      %dma_wait3A_256 = arith.constant 0 : i32
      %dma_wait3A_257 = tpu.memref_slice %arg5[%dma_wait3A_256] : memref<7168xi32, #tpu.memory_space<vmem>> -> memref<128xi32, #tpu.memory_space<vmem>>
      %dma_wait3A_258 = arith.constant 0 : i32
      %dma_wait3A_259 = arith.constant 0 : i32
      %dma_wait3A_260 = tpu.memref_slice %arg2[%dma_wait3A_258, %dma_wait3A_259] : memref<100000x128xf32, #tpu.memory_space<hbm>> -> memref<100000x128xf32, #tpu.memory_space<hbm>>
      tpu.wait_indirect_dma semaphore(%arg16 : memref<!tpu.dma_semaphore, #tpu.memory_space<semaphore_mem>>) src(%dma_wait3A_260 : memref<100000x128xf32, #tpu.memory_space<hbm>>) dst(%arg9 : memref<128x128xf32, #tpu.memory_space<vmem>>)
      %add3A_261 = arith.constant 3 : i32
      %add3A_262 = arith.addi %mul3A_204, %add3A_261 : i32
      %mul3A_263 = arith.constant 56 : i32
      %mul3A_264 = arith.muli %add3A, %mul3A_263 : i32
      %add3A_265 = arith.addi %mul3A_264, %add3A_262 : i32
      %mul3A_266 = arith.constant 128 : i32
      %mul3A_267 = arith.muli %add3A_265, %mul3A_266 : i32
      %multiple_of3A_268 = tpu.assume_multiple %mul3A_267, 128 : i32
      %dma_start3A_269 = arith.constant 0 : i32
      %dma_start3A_270 = tpu.memref_slice %arg4[%multiple_of3A_268, %dma_start3A_269] : memref<229376x128xf32, #tpu.memory_space<hbm>> -> memref<128x128xf32, #tpu.memory_space<hbm>>
      %dma_start3A_271 = arith.constant 0 : i32
      %dma_start3A_272 = tpu.memref_slice %arg4[%multiple_of3A_268, %dma_start3A_271] : memref<229376x128xf32, #tpu.memory_space<hbm>> -> memref<128x128xf32, #tpu.memory_space<hbm>>
      tpu.enqueue_dma source(%arg9 : memref<128x128xf32, #tpu.memory_space<vmem>>) target(%dma_start3A_272 : memref<128x128xf32, #tpu.memory_space<hbm>>) target_semaphore(%arg23 : memref<!tpu.dma_semaphore, #tpu.memory_space<semaphore_mem>>)
      %dma_wait3A_273 = arith.constant 0 : i32
      %dma_wait3A_274 = tpu.memref_slice %arg5[%dma_wait3A_273] : memref<7168xi32, #tpu.memory_space<vmem>> -> memref<128xi32, #tpu.memory_space<vmem>>
      %dma_wait3A_275 = arith.constant 0 : i32
      %dma_wait3A_276 = arith.constant 0 : i32
      %dma_wait3A_277 = tpu.memref_slice %arg2[%dma_wait3A_275, %dma_wait3A_276] : memref<100000x128xf32, #tpu.memory_space<hbm>> -> memref<100000x128xf32, #tpu.memory_space<hbm>>
      tpu.wait_indirect_dma semaphore(%arg17 : memref<!tpu.dma_semaphore, #tpu.memory_space<semaphore_mem>>) src(%dma_wait3A_277 : memref<100000x128xf32, #tpu.memory_space<hbm>>) dst(%arg10 : memref<128x128xf32, #tpu.memory_space<vmem>>)
      %add3A_278 = arith.constant 4 : i32
      %add3A_279 = arith.addi %mul3A_204, %add3A_278 : i32
      %mul3A_280 = arith.constant 56 : i32
      %mul3A_281 = arith.muli %add3A, %mul3A_280 : i32
      %add3A_282 = arith.addi %mul3A_281, %add3A_279 : i32
      %mul3A_283 = arith.constant 128 : i32
      %mul3A_284 = arith.muli %add3A_282, %mul3A_283 : i32
      %multiple_of3A_285 = tpu.assume_multiple %mul3A_284, 128 : i32
      %dma_start3A_286 = arith.constant 0 : i32
      %dma_start3A_287 = tpu.memref_slice %arg4[%multiple_of3A_285, %dma_start3A_286] : memref<229376x128xf32, #tpu.memory_space<hbm>> -> memref<128x128xf32, #tpu.memory_space<hbm>>
      %dma_start3A_288 = arith.constant 0 : i32
      %dma_start3A_289 = tpu.memref_slice %arg4[%multiple_of3A_285, %dma_start3A_288] : memref<229376x128xf32, #tpu.memory_space<hbm>> -> memref<128x128xf32, #tpu.memory_space<hbm>>
      tpu.enqueue_dma source(%arg10 : memref<128x128xf32, #tpu.memory_space<vmem>>) target(%dma_start3A_289 : memref<128x128xf32, #tpu.memory_space<hbm>>) target_semaphore(%arg24 : memref<!tpu.dma_semaphore, #tpu.memory_space<semaphore_mem>>)
      %dma_wait3A_290 = arith.constant 0 : i32
      %dma_wait3A_291 = tpu.memref_slice %arg5[%dma_wait3A_290] : memref<7168xi32, #tpu.memory_space<vmem>> -> memref<128xi32, #tpu.memory_space<vmem>>
      %dma_wait3A_292 = arith.constant 0 : i32
      %dma_wait3A_293 = arith.constant 0 : i32
      %dma_wait3A_294 = tpu.memref_slice %arg2[%dma_wait3A_292, %dma_wait3A_293] : memref<100000x128xf32, #tpu.memory_space<hbm>> -> memref<100000x128xf32, #tpu.memory_space<hbm>>
      tpu.wait_indirect_dma semaphore(%arg18 : memref<!tpu.dma_semaphore, #tpu.memory_space<semaphore_mem>>) src(%dma_wait3A_294 : memref<100000x128xf32, #tpu.memory_space<hbm>>) dst(%arg11 : memref<128x128xf32, #tpu.memory_space<vmem>>)
      %add3A_295 = arith.constant 5 : i32
      %add3A_296 = arith.addi %mul3A_204, %add3A_295 : i32
      %mul3A_297 = arith.constant 56 : i32
      %mul3A_298 = arith.muli %add3A, %mul3A_297 : i32
      %add3A_299 = arith.addi %mul3A_298, %add3A_296 : i32
      %mul3A_300 = arith.constant 128 : i32
      %mul3A_301 = arith.muli %add3A_299, %mul3A_300 : i32
      %multiple_of3A_302 = tpu.assume_multiple %mul3A_301, 128 : i32
      %dma_start3A_303 = arith.constant 0 : i32
      %dma_start3A_304 = tpu.memref_slice %arg4[%multiple_of3A_302, %dma_start3A_303] : memref<229376x128xf32, #tpu.memory_space<hbm>> -> memref<128x128xf32, #tpu.memory_space<hbm>>
      %dma_start3A_305 = arith.constant 0 : i32
      %dma_start3A_306 = tpu.memref_slice %arg4[%multiple_of3A_302, %dma_start3A_305] : memref<229376x128xf32, #tpu.memory_space<hbm>> -> memref<128x128xf32, #tpu.memory_space<hbm>>
      tpu.enqueue_dma source(%arg11 : memref<128x128xf32, #tpu.memory_space<vmem>>) target(%dma_start3A_306 : memref<128x128xf32, #tpu.memory_space<hbm>>) target_semaphore(%arg25 : memref<!tpu.dma_semaphore, #tpu.memory_space<semaphore_mem>>)
      %dma_wait3A_307 = arith.constant 0 : i32
      %dma_wait3A_308 = tpu.memref_slice %arg5[%dma_wait3A_307] : memref<7168xi32, #tpu.memory_space<vmem>> -> memref<128xi32, #tpu.memory_space<vmem>>
      %dma_wait3A_309 = arith.constant 0 : i32
      %dma_wait3A_310 = arith.constant 0 : i32
      %dma_wait3A_311 = tpu.memref_slice %arg2[%dma_wait3A_309, %dma_wait3A_310] : memref<100000x128xf32, #tpu.memory_space<hbm>> -> memref<100000x128xf32, #tpu.memory_space<hbm>>
      tpu.wait_indirect_dma semaphore(%arg19 : memref<!tpu.dma_semaphore, #tpu.memory_space<semaphore_mem>>) src(%dma_wait3A_311 : memref<100000x128xf32, #tpu.memory_space<hbm>>) dst(%arg12 : memref<128x128xf32, #tpu.memory_space<vmem>>)
      %add3A_312 = arith.constant 6 : i32
      %add3A_313 = arith.addi %mul3A_204, %add3A_312 : i32
      %mul3A_314 = arith.constant 56 : i32
      %mul3A_315 = arith.muli %add3A, %mul3A_314 : i32
      %add3A_316 = arith.addi %mul3A_315, %add3A_313 : i32
      %mul3A_317 = arith.constant 128 : i32
      %mul3A_318 = arith.muli %add3A_316, %mul3A_317 : i32
      %multiple_of3A_319 = tpu.assume_multiple %mul3A_318, 128 : i32
      %dma_start3A_320 = arith.constant 0 : i32
      %dma_start3A_321 = tpu.memref_slice %arg4[%multiple_of3A_319, %dma_start3A_320] : memref<229376x128xf32, #tpu.memory_space<hbm>> -> memref<128x128xf32, #tpu.memory_space<hbm>>
      %dma_start3A_322 = arith.constant 0 : i32
      %dma_start3A_323 = tpu.memref_slice %arg4[%multiple_of3A_319, %dma_start3A_322] : memref<229376x128xf32, #tpu.memory_space<hbm>> -> memref<128x128xf32, #tpu.memory_space<hbm>>
      tpu.enqueue_dma source(%arg12 : memref<128x128xf32, #tpu.memory_space<vmem>>) target(%dma_start3A_323 : memref<128x128xf32, #tpu.memory_space<hbm>>) target_semaphore(%arg26 : memref<!tpu.dma_semaphore, #tpu.memory_space<semaphore_mem>>)
      %dma_wait3A_324 = arith.constant 0 : i32
      %dma_wait3A_325 = arith.constant 0 : i32
      %dma_wait3A_326 = tpu.memref_slice %arg4[%dma_wait3A_324, %dma_wait3A_325] : memref<229376x128xf32, #tpu.memory_space<hbm>> -> memref<128x128xf32, #tpu.memory_space<hbm>>
      %dma_wait3A_327 = arith.constant 0 : i32
      %dma_wait3A_328 = arith.constant 0 : i32
      %dma_wait3A_329 = tpu.memref_slice %arg4[%dma_wait3A_327, %dma_wait3A_328] : memref<229376x128xf32, #tpu.memory_space<hbm>> -> memref<128x128xf32, #tpu.memory_space<hbm>>
      tpu.wait_dma2 semaphore(%arg20 : memref<!tpu.dma_semaphore, #tpu.memory_space<semaphore_mem>>) src(%arg6 : memref<128x128xf32, #tpu.memory_space<vmem>>) dst(%dma_wait3A_329 : memref<128x128xf32, #tpu.memory_space<hbm>>)
      %add3A_330 = arith.constant 7 : i32
      %add3A_331 = arith.addi %mul3A_204, %add3A_330 : i32
      %add3A_332 = arith.constant 0 : i32
      %add3A_333 = arith.addi %add3A_331, %add3A_332 : i32
      %mul3A_334 = arith.constant 128 : i32
      %mul3A_335 = arith.muli %add3A_333, %mul3A_334 : i32
      %multiple_of3A_336 = tpu.assume_multiple %mul3A_335, 128 : i32
      %dma_start3A_337 = tpu.memref_slice %arg5[%multiple_of3A_336] : memref<7168xi32, #tpu.memory_space<vmem>> -> memref<128xi32, #tpu.memory_space<vmem>>
      %dma_start3A_338 = arith.constant 0 : i32
      %dma_start3A_339 = arith.constant 0 : i32
      %dma_start3A_340 = tpu.memref_slice %arg2[%dma_start3A_338, %dma_start3A_339] : memref<100000x128xf32, #tpu.memory_space<hbm>> -> memref<100000x128xf32, #tpu.memory_space<hbm>>
      tpu.enqueue_indirect_dma source(%dma_start3A_340 : memref<100000x128xf32, #tpu.memory_space<hbm>>) target(%arg6 : memref<128x128xf32, #tpu.memory_space<vmem>>) offsets(%dma_start3A_337 : memref<128xi32, #tpu.memory_space<vmem>>) semaphore(%arg13 : memref<!tpu.dma_semaphore, #tpu.memory_space<semaphore_mem>>)
      %dma_wait3A_341 = arith.constant 0 : i32
      %dma_wait3A_342 = arith.constant 0 : i32
      %dma_wait3A_343 = tpu.memref_slice %arg4[%dma_wait3A_341, %dma_wait3A_342] : memref<229376x128xf32, #tpu.memory_space<hbm>> -> memref<128x128xf32, #tpu.memory_space<hbm>>
      %dma_wait3A_344 = arith.constant 0 : i32
      %dma_wait3A_345 = arith.constant 0 : i32
      %dma_wait3A_346 = tpu.memref_slice %arg4[%dma_wait3A_344, %dma_wait3A_345] : memref<229376x128xf32, #tpu.memory_space<hbm>> -> memref<128x128xf32, #tpu.memory_space<hbm>>
      tpu.wait_dma2 semaphore(%arg21 : memref<!tpu.dma_semaphore, #tpu.memory_space<semaphore_mem>>) src(%arg7 : memref<128x128xf32, #tpu.memory_space<vmem>>) dst(%dma_wait3A_346 : memref<128x128xf32, #tpu.memory_space<hbm>>)
      %add3A_347 = arith.constant 7 : i32
      %add3A_348 = arith.addi %mul3A_204, %add3A_347 : i32
      %add3A_349 = arith.constant 1 : i32
      %add3A_350 = arith.addi %add3A_348, %add3A_349 : i32
      %mul3A_351 = arith.constant 128 : i32
      %mul3A_352 = arith.muli %add3A_350, %mul3A_351 : i32
      %multiple_of3A_353 = tpu.assume_multiple %mul3A_352, 128 : i32
      %dma_start3A_354 = tpu.memref_slice %arg5[%multiple_of3A_353] : memref<7168xi32, #tpu.memory_space<vmem>> -> memref<128xi32, #tpu.memory_space<vmem>>
      %dma_start3A_355 = arith.constant 0 : i32
      %dma_start3A_356 = arith.constant 0 : i32
      %dma_start3A_357 = tpu.memref_slice %arg2[%dma_start3A_355, %dma_start3A_356] : memref<100000x128xf32, #tpu.memory_space<hbm>> -> memref<100000x128xf32, #tpu.memory_space<hbm>>
      tpu.enqueue_indirect_dma source(%dma_start3A_357 : memref<100000x128xf32, #tpu.memory_space<hbm>>) target(%arg7 : memref<128x128xf32, #tpu.memory_space<vmem>>) offsets(%dma_start3A_354 : memref<128xi32, #tpu.memory_space<vmem>>) semaphore(%arg14 : memref<!tpu.dma_semaphore, #tpu.memory_space<semaphore_mem>>)
      %dma_wait3A_358 = arith.constant 0 : i32
      %dma_wait3A_359 = arith.constant 0 : i32
      %dma_wait3A_360 = tpu.memref_slice %arg4[%dma_wait3A_358, %dma_wait3A_359] : memref<229376x128xf32, #tpu.memory_space<hbm>> -> memref<128x128xf32, #tpu.memory_space<hbm>>
      %dma_wait3A_361 = arith.constant 0 : i32
      %dma_wait3A_362 = arith.constant 0 : i32
      %dma_wait3A_363 = tpu.memref_slice %arg4[%dma_wait3A_361, %dma_wait3A_362] : memref<229376x128xf32, #tpu.memory_space<hbm>> -> memref<128x128xf32, #tpu.memory_space<hbm>>
      tpu.wait_dma2 semaphore(%arg22 : memref<!tpu.dma_semaphore, #tpu.memory_space<semaphore_mem>>) src(%arg8 : memref<128x128xf32, #tpu.memory_space<vmem>>) dst(%dma_wait3A_363 : memref<128x128xf32, #tpu.memory_space<hbm>>)
      %add3A_364 = arith.constant 7 : i32
      %add3A_365 = arith.addi %mul3A_204, %add3A_364 : i32
      %add3A_366 = arith.constant 2 : i32
      %add3A_367 = arith.addi %add3A_365, %add3A_366 : i32
      %mul3A_368 = arith.constant 128 : i32
      %mul3A_369 = arith.muli %add3A_367, %mul3A_368 : i32
      %multiple_of3A_370 = tpu.assume_multiple %mul3A_369, 128 : i32
      %dma_start3A_371 = tpu.memref_slice %arg5[%multiple_of3A_370] : memref<7168xi32, #tpu.memory_space<vmem>> -> memref<128xi32, #tpu.memory_space<vmem>>
      %dma_start3A_372 = arith.constant 0 : i32
      %dma_start3A_373 = arith.constant 0 : i32
      %dma_start3A_374 = tpu.memref_slice %arg2[%dma_start3A_372, %dma_start3A_373] : memref<100000x128xf32, #tpu.memory_space<hbm>> -> memref<100000x128xf32, #tpu.memory_space<hbm>>
      tpu.enqueue_indirect_dma source(%dma_start3A_374 : memref<100000x128xf32, #tpu.memory_space<hbm>>) target(%arg8 : memref<128x128xf32, #tpu.memory_space<vmem>>) offsets(%dma_start3A_371 : memref<128xi32, #tpu.memory_space<vmem>>) semaphore(%arg15 : memref<!tpu.dma_semaphore, #tpu.memory_space<semaphore_mem>>)
      %dma_wait3A_375 = arith.constant 0 : i32
      %dma_wait3A_376 = arith.constant 0 : i32
      %dma_wait3A_377 = tpu.memref_slice %arg4[%dma_wait3A_375, %dma_wait3A_376] : memref<229376x128xf32, #tpu.memory_space<hbm>> -> memref<128x128xf32, #tpu.memory_space<hbm>>
      %dma_wait3A_378 = arith.constant 0 : i32
      %dma_wait3A_379 = arith.constant 0 : i32
      %dma_wait3A_380 = tpu.memref_slice %arg4[%dma_wait3A_378, %dma_wait3A_379] : memref<229376x128xf32, #tpu.memory_space<hbm>> -> memref<128x128xf32, #tpu.memory_space<hbm>>
      tpu.wait_dma2 semaphore(%arg23 : memref<!tpu.dma_semaphore, #tpu.memory_space<semaphore_mem>>) src(%arg9 : memref<128x128xf32, #tpu.memory_space<vmem>>) dst(%dma_wait3A_380 : memref<128x128xf32, #tpu.memory_space<hbm>>)
      %add3A_381 = arith.constant 7 : i32
      %add3A_382 = arith.addi %mul3A_204, %add3A_381 : i32
      %add3A_383 = arith.constant 3 : i32
      %add3A_384 = arith.addi %add3A_382, %add3A_383 : i32
      %mul3A_385 = arith.constant 128 : i32
      %mul3A_386 = arith.muli %add3A_384, %mul3A_385 : i32
      %multiple_of3A_387 = tpu.assume_multiple %mul3A_386, 128 : i32
      %dma_start3A_388 = tpu.memref_slice %arg5[%multiple_of3A_387] : memref<7168xi32, #tpu.memory_space<vmem>> -> memref<128xi32, #tpu.memory_space<vmem>>
      %dma_start3A_389 = arith.constant 0 : i32
      %dma_start3A_390 = arith.constant 0 : i32
      %dma_start3A_391 = tpu.memref_slice %arg2[%dma_start3A_389, %dma_start3A_390] : memref<100000x128xf32, #tpu.memory_space<hbm>> -> memref<100000x128xf32, #tpu.memory_space<hbm>>
      tpu.enqueue_indirect_dma source(%dma_start3A_391 : memref<100000x128xf32, #tpu.memory_space<hbm>>) target(%arg9 : memref<128x128xf32, #tpu.memory_space<vmem>>) offsets(%dma_start3A_388 : memref<128xi32, #tpu.memory_space<vmem>>) semaphore(%arg16 : memref<!tpu.dma_semaphore, #tpu.memory_space<semaphore_mem>>)
      %dma_wait3A_392 = arith.constant 0 : i32
      %dma_wait3A_393 = arith.constant 0 : i32
      %dma_wait3A_394 = tpu.memref_slice %arg4[%dma_wait3A_392, %dma_wait3A_393] : memref<229376x128xf32, #tpu.memory_space<hbm>> -> memref<128x128xf32, #tpu.memory_space<hbm>>
      %dma_wait3A_395 = arith.constant 0 : i32
      %dma_wait3A_396 = arith.constant 0 : i32
      %dma_wait3A_397 = tpu.memref_slice %arg4[%dma_wait3A_395, %dma_wait3A_396] : memref<229376x128xf32, #tpu.memory_space<hbm>> -> memref<128x128xf32, #tpu.memory_space<hbm>>
      tpu.wait_dma2 semaphore(%arg24 : memref<!tpu.dma_semaphore, #tpu.memory_space<semaphore_mem>>) src(%arg10 : memref<128x128xf32, #tpu.memory_space<vmem>>) dst(%dma_wait3A_397 : memref<128x128xf32, #tpu.memory_space<hbm>>)
      %add3A_398 = arith.constant 7 : i32
      %add3A_399 = arith.addi %mul3A_204, %add3A_398 : i32
      %add3A_400 = arith.constant 4 : i32
      %add3A_401 = arith.addi %add3A_399, %add3A_400 : i32
      %mul3A_402 = arith.constant 128 : i32
      %mul3A_403 = arith.muli %add3A_401, %mul3A_402 : i32
      %multiple_of3A_404 = tpu.assume_multiple %mul3A_403, 128 : i32
      %dma_start3A_405 = tpu.memref_slice %arg5[%multiple_of3A_404] : memref<7168xi32, #tpu.memory_space<vmem>> -> memref<128xi32, #tpu.memory_space<vmem>>
      %dma_start3A_406 = arith.constant 0 : i32
      %dma_start3A_407 = arith.constant 0 : i32
      %dma_start3A_408 = tpu.memref_slice %arg2[%dma_start3A_406, %dma_start3A_407] : memref<100000x128xf32, #tpu.memory_space<hbm>> -> memref<100000x128xf32, #tpu.memory_space<hbm>>
      tpu.enqueue_indirect_dma source(%dma_start3A_408 : memref<100000x128xf32, #tpu.memory_space<hbm>>) target(%arg10 : memref<128x128xf32, #tpu.memory_space<vmem>>) offsets(%dma_start3A_405 : memref<128xi32, #tpu.memory_space<vmem>>) semaphore(%arg17 : memref<!tpu.dma_semaphore, #tpu.memory_space<semaphore_mem>>)
      %dma_wait3A_409 = arith.constant 0 : i32
      %dma_wait3A_410 = arith.constant 0 : i32
      %dma_wait3A_411 = tpu.memref_slice %arg4[%dma_wait3A_409, %dma_wait3A_410] : memref<229376x128xf32, #tpu.memory_space<hbm>> -> memref<128x128xf32, #tpu.memory_space<hbm>>
      %dma_wait3A_412 = arith.constant 0 : i32
      %dma_wait3A_413 = arith.constant 0 : i32
      %dma_wait3A_414 = tpu.memref_slice %arg4[%dma_wait3A_412, %dma_wait3A_413] : memref<229376x128xf32, #tpu.memory_space<hbm>> -> memref<128x128xf32, #tpu.memory_space<hbm>>
      tpu.wait_dma2 semaphore(%arg25 : memref<!tpu.dma_semaphore, #tpu.memory_space<semaphore_mem>>) src(%arg11 : memref<128x128xf32, #tpu.memory_space<vmem>>) dst(%dma_wait3A_414 : memref<128x128xf32, #tpu.memory_space<hbm>>)
      %add3A_415 = arith.constant 7 : i32
      %add3A_416 = arith.addi %mul3A_204, %add3A_415 : i32
      %add3A_417 = arith.constant 5 : i32
      %add3A_418 = arith.addi %add3A_416, %add3A_417 : i32
      %mul3A_419 = arith.constant 128 : i32
      %mul3A_420 = arith.muli %add3A_418, %mul3A_419 : i32
      %multiple_of3A_421 = tpu.assume_multiple %mul3A_420, 128 : i32
      %dma_start3A_422 = tpu.memref_slice %arg5[%multiple_of3A_421] : memref<7168xi32, #tpu.memory_space<vmem>> -> memref<128xi32, #tpu.memory_space<vmem>>
      %dma_start3A_423 = arith.constant 0 : i32
      %dma_start3A_424 = arith.constant 0 : i32
      %dma_start3A_425 = tpu.memref_slice %arg2[%dma_start3A_423, %dma_start3A_424] : memref<100000x128xf32, #tpu.memory_space<hbm>> -> memref<100000x128xf32, #tpu.memory_space<hbm>>
      tpu.enqueue_indirect_dma source(%dma_start3A_425 : memref<100000x128xf32, #tpu.memory_space<hbm>>) target(%arg11 : memref<128x128xf32, #tpu.memory_space<vmem>>) offsets(%dma_start3A_422 : memref<128xi32, #tpu.memory_space<vmem>>) semaphore(%arg18 : memref<!tpu.dma_semaphore, #tpu.memory_space<semaphore_mem>>)
      %dma_wait3A_426 = arith.constant 0 : i32
      %dma_wait3A_427 = arith.constant 0 : i32
      %dma_wait3A_428 = tpu.memref_slice %arg4[%dma_wait3A_426, %dma_wait3A_427] : memref<229376x128xf32, #tpu.memory_space<hbm>> -> memref<128x128xf32, #tpu.memory_space<hbm>>
      %dma_wait3A_429 = arith.constant 0 : i32
      %dma_wait3A_430 = arith.constant 0 : i32
      %dma_wait3A_431 = tpu.memref_slice %arg4[%dma_wait3A_429, %dma_wait3A_430] : memref<229376x128xf32, #tpu.memory_space<hbm>> -> memref<128x128xf32, #tpu.memory_space<hbm>>
      tpu.wait_dma2 semaphore(%arg26 : memref<!tpu.dma_semaphore, #tpu.memory_space<semaphore_mem>>) src(%arg12 : memref<128x128xf32, #tpu.memory_space<vmem>>) dst(%dma_wait3A_431 : memref<128x128xf32, #tpu.memory_space<hbm>>)
      %add3A_432 = arith.constant 7 : i32
      %add3A_433 = arith.addi %mul3A_204, %add3A_432 : i32
      %add3A_434 = arith.constant 6 : i32
      %add3A_435 = arith.addi %add3A_433, %add3A_434 : i32
      %mul3A_436 = arith.constant 128 : i32
      %mul3A_437 = arith.muli %add3A_435, %mul3A_436 : i32
      %multiple_of3A_438 = tpu.assume_multiple %mul3A_437, 128 : i32
      %dma_start3A_439 = tpu.memref_slice %arg5[%multiple_of3A_438] : memref<7168xi32, #tpu.memory_space<vmem>> -> memref<128xi32, #tpu.memory_space<vmem>>
      %dma_start3A_440 = arith.constant 0 : i32
      %dma_start3A_441 = arith.constant 0 : i32
      %dma_start3A_442 = tpu.memref_slice %arg2[%dma_start3A_440, %dma_start3A_441] : memref<100000x128xf32, #tpu.memory_space<hbm>> -> memref<100000x128xf32, #tpu.memory_space<hbm>>
      tpu.enqueue_indirect_dma source(%dma_start3A_442 : memref<100000x128xf32, #tpu.memory_space<hbm>>) target(%arg12 : memref<128x128xf32, #tpu.memory_space<vmem>>) offsets(%dma_start3A_439 : memref<128xi32, #tpu.memory_space<vmem>>) semaphore(%arg19 : memref<!tpu.dma_semaphore, #tpu.memory_space<semaphore_mem>>)
    }
    %scan3A_48 = arith.constant 7 : i32
    %dma_wait3A = arith.constant 0 : i32
    %dma_wait3A_49 = tpu.memref_slice %arg5[%dma_wait3A] : memref<7168xi32, #tpu.memory_space<vmem>> -> memref<128xi32, #tpu.memory_space<vmem>>
    %dma_wait3A_50 = arith.constant 0 : i32
    %dma_wait3A_51 = arith.constant 0 : i32
    %dma_wait3A_52 = tpu.memref_slice %arg2[%dma_wait3A_50, %dma_wait3A_51] : memref<100000x128xf32, #tpu.memory_space<hbm>> -> memref<100000x128xf32, #tpu.memory_space<hbm>>
    tpu.wait_indirect_dma semaphore(%arg13 : memref<!tpu.dma_semaphore, #tpu.memory_space<semaphore_mem>>) src(%dma_wait3A_52 : memref<100000x128xf32, #tpu.memory_space<hbm>>) dst(%arg6 : memref<128x128xf32, #tpu.memory_space<vmem>>)
    %mul3A_53 = arith.constant 56 : i32
    %mul3A_54 = arith.muli %add3A, %mul3A_53 : i32
    %add3A_55 = arith.constant 49 : i32
    %add3A_56 = arith.addi %mul3A_54, %add3A_55 : i32
    %mul3A_57 = arith.constant 128 : i32
    %mul3A_58 = arith.muli %add3A_56, %mul3A_57 : i32
    %multiple_of3A_59 = tpu.assume_multiple %mul3A_58, 128 : i32
    %dma_start3A_60 = arith.constant 0 : i32
    %dma_start3A_61 = tpu.memref_slice %arg4[%multiple_of3A_59, %dma_start3A_60] : memref<229376x128xf32, #tpu.memory_space<hbm>> -> memref<128x128xf32, #tpu.memory_space<hbm>>
    %dma_start3A_62 = arith.constant 0 : i32
    %dma_start3A_63 = tpu.memref_slice %arg4[%multiple_of3A_59, %dma_start3A_62] : memref<229376x128xf32, #tpu.memory_space<hbm>> -> memref<128x128xf32, #tpu.memory_space<hbm>>
    tpu.enqueue_dma source(%arg6 : memref<128x128xf32, #tpu.memory_space<vmem>>) target(%dma_start3A_63 : memref<128x128xf32, #tpu.memory_space<hbm>>) target_semaphore(%arg20 : memref<!tpu.dma_semaphore, #tpu.memory_space<semaphore_mem>>)
    %dma_wait3A_64 = arith.constant 0 : i32
    %dma_wait3A_65 = tpu.memref_slice %arg5[%dma_wait3A_64] : memref<7168xi32, #tpu.memory_space<vmem>> -> memref<128xi32, #tpu.memory_space<vmem>>
    %dma_wait3A_66 = arith.constant 0 : i32
    %dma_wait3A_67 = arith.constant 0 : i32
    %dma_wait3A_68 = tpu.memref_slice %arg2[%dma_wait3A_66, %dma_wait3A_67] : memref<100000x128xf32, #tpu.memory_space<hbm>> -> memref<100000x128xf32, #tpu.memory_space<hbm>>
    tpu.wait_indirect_dma semaphore(%arg14 : memref<!tpu.dma_semaphore, #tpu.memory_space<semaphore_mem>>) src(%dma_wait3A_68 : memref<100000x128xf32, #tpu.memory_space<hbm>>) dst(%arg7 : memref<128x128xf32, #tpu.memory_space<vmem>>)
    %mul3A_69 = arith.constant 56 : i32
    %mul3A_70 = arith.muli %add3A, %mul3A_69 : i32
    %add3A_71 = arith.constant 50 : i32
    %add3A_72 = arith.addi %mul3A_70, %add3A_71 : i32
    %mul3A_73 = arith.constant 128 : i32
    %mul3A_74 = arith.muli %add3A_72, %mul3A_73 : i32
    %multiple_of3A_75 = tpu.assume_multiple %mul3A_74, 128 : i32
    %dma_start3A_76 = arith.constant 0 : i32
    %dma_start3A_77 = tpu.memref_slice %arg4[%multiple_of3A_75, %dma_start3A_76] : memref<229376x128xf32, #tpu.memory_space<hbm>> -> memref<128x128xf32, #tpu.memory_space<hbm>>
    %dma_start3A_78 = arith.constant 0 : i32
    %dma_start3A_79 = tpu.memref_slice %arg4[%multiple_of3A_75, %dma_start3A_78] : memref<229376x128xf32, #tpu.memory_space<hbm>> -> memref<128x128xf32, #tpu.memory_space<hbm>>
    tpu.enqueue_dma source(%arg7 : memref<128x128xf32, #tpu.memory_space<vmem>>) target(%dma_start3A_79 : memref<128x128xf32, #tpu.memory_space<hbm>>) target_semaphore(%arg21 : memref<!tpu.dma_semaphore, #tpu.memory_space<semaphore_mem>>)
    %dma_wait3A_80 = arith.constant 0 : i32
    %dma_wait3A_81 = tpu.memref_slice %arg5[%dma_wait3A_80] : memref<7168xi32, #tpu.memory_space<vmem>> -> memref<128xi32, #tpu.memory_space<vmem>>
    %dma_wait3A_82 = arith.constant 0 : i32
    %dma_wait3A_83 = arith.constant 0 : i32
    %dma_wait3A_84 = tpu.memref_slice %arg2[%dma_wait3A_82, %dma_wait3A_83] : memref<100000x128xf32, #tpu.memory_space<hbm>> -> memref<100000x128xf32, #tpu.memory_space<hbm>>
    tpu.wait_indirect_dma semaphore(%arg15 : memref<!tpu.dma_semaphore, #tpu.memory_space<semaphore_mem>>) src(%dma_wait3A_84 : memref<100000x128xf32, #tpu.memory_space<hbm>>) dst(%arg8 : memref<128x128xf32, #tpu.memory_space<vmem>>)
    %mul3A_85 = arith.constant 56 : i32
    %mul3A_86 = arith.muli %add3A, %mul3A_85 : i32
    %add3A_87 = arith.constant 51 : i32
    %add3A_88 = arith.addi %mul3A_86, %add3A_87 : i32
    %mul3A_89 = arith.constant 128 : i32
    %mul3A_90 = arith.muli %add3A_88, %mul3A_89 : i32
    %multiple_of3A_91 = tpu.assume_multiple %mul3A_90, 128 : i32
    %dma_start3A_92 = arith.constant 0 : i32
    %dma_start3A_93 = tpu.memref_slice %arg4[%multiple_of3A_91, %dma_start3A_92] : memref<229376x128xf32, #tpu.memory_space<hbm>> -> memref<128x128xf32, #tpu.memory_space<hbm>>
    %dma_start3A_94 = arith.constant 0 : i32
    %dma_start3A_95 = tpu.memref_slice %arg4[%multiple_of3A_91, %dma_start3A_94] : memref<229376x128xf32, #tpu.memory_space<hbm>> -> memref<128x128xf32, #tpu.memory_space<hbm>>
    tpu.enqueue_dma source(%arg8 : memref<128x128xf32, #tpu.memory_space<vmem>>) target(%dma_start3A_95 : memref<128x128xf32, #tpu.memory_space<hbm>>) target_semaphore(%arg22 : memref<!tpu.dma_semaphore, #tpu.memory_space<semaphore_mem>>)
    %dma_wait3A_96 = arith.constant 0 : i32
    %dma_wait3A_97 = tpu.memref_slice %arg5[%dma_wait3A_96] : memref<7168xi32, #tpu.memory_space<vmem>> -> memref<128xi32, #tpu.memory_space<vmem>>
    %dma_wait3A_98 = arith.constant 0 : i32
    %dma_wait3A_99 = arith.constant 0 : i32
    %dma_wait3A_100 = tpu.memref_slice %arg2[%dma_wait3A_98, %dma_wait3A_99] : memref<100000x128xf32, #tpu.memory_space<hbm>> -> memref<100000x128xf32, #tpu.memory_space<hbm>>
    tpu.wait_indirect_dma semaphore(%arg16 : memref<!tpu.dma_semaphore, #tpu.memory_space<semaphore_mem>>) src(%dma_wait3A_100 : memref<100000x128xf32, #tpu.memory_space<hbm>>) dst(%arg9 : memref<128x128xf32, #tpu.memory_space<vmem>>)
    %mul3A_101 = arith.constant 56 : i32
    %mul3A_102 = arith.muli %add3A, %mul3A_101 : i32
    %add3A_103 = arith.constant 52 : i32
    %add3A_104 = arith.addi %mul3A_102, %add3A_103 : i32
    %mul3A_105 = arith.constant 128 : i32
    %mul3A_106 = arith.muli %add3A_104, %mul3A_105 : i32
    %multiple_of3A_107 = tpu.assume_multiple %mul3A_106, 128 : i32
    %dma_start3A_108 = arith.constant 0 : i32
    %dma_start3A_109 = tpu.memref_slice %arg4[%multiple_of3A_107, %dma_start3A_108] : memref<229376x128xf32, #tpu.memory_space<hbm>> -> memref<128x128xf32, #tpu.memory_space<hbm>>
    %dma_start3A_110 = arith.constant 0 : i32
    %dma_start3A_111 = tpu.memref_slice %arg4[%multiple_of3A_107, %dma_start3A_110] : memref<229376x128xf32, #tpu.memory_space<hbm>> -> memref<128x128xf32, #tpu.memory_space<hbm>>
    tpu.enqueue_dma source(%arg9 : memref<128x128xf32, #tpu.memory_space<vmem>>) target(%dma_start3A_111 : memref<128x128xf32, #tpu.memory_space<hbm>>) target_semaphore(%arg23 : memref<!tpu.dma_semaphore, #tpu.memory_space<semaphore_mem>>)
    %dma_wait3A_112 = arith.constant 0 : i32
    %dma_wait3A_113 = tpu.memref_slice %arg5[%dma_wait3A_112] : memref<7168xi32, #tpu.memory_space<vmem>> -> memref<128xi32, #tpu.memory_space<vmem>>
    %dma_wait3A_114 = arith.constant 0 : i32
    %dma_wait3A_115 = arith.constant 0 : i32
    %dma_wait3A_116 = tpu.memref_slice %arg2[%dma_wait3A_114, %dma_wait3A_115] : memref<100000x128xf32, #tpu.memory_space<hbm>> -> memref<100000x128xf32, #tpu.memory_space<hbm>>
    tpu.wait_indirect_dma semaphore(%arg17 : memref<!tpu.dma_semaphore, #tpu.memory_space<semaphore_mem>>) src(%dma_wait3A_116 : memref<100000x128xf32, #tpu.memory_space<hbm>>) dst(%arg10 : memref<128x128xf32, #tpu.memory_space<vmem>>)
    %mul3A_117 = arith.constant 56 : i32
    %mul3A_118 = arith.muli %add3A, %mul3A_117 : i32
    %add3A_119 = arith.constant 53 : i32
    %add3A_120 = arith.addi %mul3A_118, %add3A_119 : i32
    %mul3A_121 = arith.constant 128 : i32
    %mul3A_122 = arith.muli %add3A_120, %mul3A_121 : i32
    %multiple_of3A_123 = tpu.assume_multiple %mul3A_122, 128 : i32
    %dma_start3A_124 = arith.constant 0 : i32
    %dma_start3A_125 = tpu.memref_slice %arg4[%multiple_of3A_123, %dma_start3A_124] : memref<229376x128xf32, #tpu.memory_space<hbm>> -> memref<128x128xf32, #tpu.memory_space<hbm>>
    %dma_start3A_126 = arith.constant 0 : i32
    %dma_start3A_127 = tpu.memref_slice %arg4[%multiple_of3A_123, %dma_start3A_126] : memref<229376x128xf32, #tpu.memory_space<hbm>> -> memref<128x128xf32, #tpu.memory_space<hbm>>
    tpu.enqueue_dma source(%arg10 : memref<128x128xf32, #tpu.memory_space<vmem>>) target(%dma_start3A_127 : memref<128x128xf32, #tpu.memory_space<hbm>>) target_semaphore(%arg24 : memref<!tpu.dma_semaphore, #tpu.memory_space<semaphore_mem>>)
    %dma_wait3A_128 = arith.constant 0 : i32
    %dma_wait3A_129 = tpu.memref_slice %arg5[%dma_wait3A_128] : memref<7168xi32, #tpu.memory_space<vmem>> -> memref<128xi32, #tpu.memory_space<vmem>>
    %dma_wait3A_130 = arith.constant 0 : i32
    %dma_wait3A_131 = arith.constant 0 : i32
    %dma_wait3A_132 = tpu.memref_slice %arg2[%dma_wait3A_130, %dma_wait3A_131] : memref<100000x128xf32, #tpu.memory_space<hbm>> -> memref<100000x128xf32, #tpu.memory_space<hbm>>
    tpu.wait_indirect_dma semaphore(%arg18 : memref<!tpu.dma_semaphore, #tpu.memory_space<semaphore_mem>>) src(%dma_wait3A_132 : memref<100000x128xf32, #tpu.memory_space<hbm>>) dst(%arg11 : memref<128x128xf32, #tpu.memory_space<vmem>>)
    %mul3A_133 = arith.constant 56 : i32
    %mul3A_134 = arith.muli %add3A, %mul3A_133 : i32
    %add3A_135 = arith.constant 54 : i32
    %add3A_136 = arith.addi %mul3A_134, %add3A_135 : i32
    %mul3A_137 = arith.constant 128 : i32
    %mul3A_138 = arith.muli %add3A_136, %mul3A_137 : i32
    %multiple_of3A_139 = tpu.assume_multiple %mul3A_138, 128 : i32
    %dma_start3A_140 = arith.constant 0 : i32
    %dma_start3A_141 = tpu.memref_slice %arg4[%multiple_of3A_139, %dma_start3A_140] : memref<229376x128xf32, #tpu.memory_space<hbm>> -> memref<128x128xf32, #tpu.memory_space<hbm>>
    %dma_start3A_142 = arith.constant 0 : i32
    %dma_start3A_143 = tpu.memref_slice %arg4[%multiple_of3A_139, %dma_start3A_142] : memref<229376x128xf32, #tpu.memory_space<hbm>> -> memref<128x128xf32, #tpu.memory_space<hbm>>
    tpu.enqueue_dma source(%arg11 : memref<128x128xf32, #tpu.memory_space<vmem>>) target(%dma_start3A_143 : memref<128x128xf32, #tpu.memory_space<hbm>>) target_semaphore(%arg25 : memref<!tpu.dma_semaphore, #tpu.memory_space<semaphore_mem>>)
    %dma_wait3A_144 = arith.constant 0 : i32
    %dma_wait3A_145 = tpu.memref_slice %arg5[%dma_wait3A_144] : memref<7168xi32, #tpu.memory_space<vmem>> -> memref<128xi32, #tpu.memory_space<vmem>>
    %dma_wait3A_146 = arith.constant 0 : i32
    %dma_wait3A_147 = arith.constant 0 : i32
    %dma_wait3A_148 = tpu.memref_slice %arg2[%dma_wait3A_146, %dma_wait3A_147] : memref<100000x128xf32, #tpu.memory_space<hbm>> -> memref<100000x128xf32, #tpu.memory_space<hbm>>
    tpu.wait_indirect_dma semaphore(%arg19 : memref<!tpu.dma_semaphore, #tpu.memory_space<semaphore_mem>>) src(%dma_wait3A_148 : memref<100000x128xf32, #tpu.memory_space<hbm>>) dst(%arg12 : memref<128x128xf32, #tpu.memory_space<vmem>>)
    %mul3A_149 = arith.constant 56 : i32
    %mul3A_150 = arith.muli %add3A, %mul3A_149 : i32
    %add3A_151 = arith.constant 55 : i32
    %add3A_152 = arith.addi %mul3A_150, %add3A_151 : i32
    %mul3A_153 = arith.constant 128 : i32
    %mul3A_154 = arith.muli %add3A_152, %mul3A_153 : i32
    %multiple_of3A_155 = tpu.assume_multiple %mul3A_154, 128 : i32
    %dma_start3A_156 = arith.constant 0 : i32
    %dma_start3A_157 = tpu.memref_slice %arg4[%multiple_of3A_155, %dma_start3A_156] : memref<229376x128xf32, #tpu.memory_space<hbm>> -> memref<128x128xf32, #tpu.memory_space<hbm>>
    %dma_start3A_158 = arith.constant 0 : i32
    %dma_start3A_159 = tpu.memref_slice %arg4[%multiple_of3A_155, %dma_start3A_158] : memref<229376x128xf32, #tpu.memory_space<hbm>> -> memref<128x128xf32, #tpu.memory_space<hbm>>
    tpu.enqueue_dma source(%arg12 : memref<128x128xf32, #tpu.memory_space<vmem>>) target(%dma_start3A_159 : memref<128x128xf32, #tpu.memory_space<hbm>>) target_semaphore(%arg26 : memref<!tpu.dma_semaphore, #tpu.memory_space<semaphore_mem>>)
    %dma_wait3A_160 = arith.constant 0 : i32
    %dma_wait3A_161 = arith.constant 0 : i32
    %dma_wait3A_162 = tpu.memref_slice %arg4[%dma_wait3A_160, %dma_wait3A_161] : memref<229376x128xf32, #tpu.memory_space<hbm>> -> memref<128x128xf32, #tpu.memory_space<hbm>>
    %dma_wait3A_163 = arith.constant 0 : i32
    %dma_wait3A_164 = arith.constant 0 : i32
    %dma_wait3A_165 = tpu.memref_slice %arg4[%dma_wait3A_163, %dma_wait3A_164] : memref<229376x128xf32, #tpu.memory_space<hbm>> -> memref<128x128xf32, #tpu.memory_space<hbm>>
    tpu.wait_dma2 semaphore(%arg20 : memref<!tpu.dma_semaphore, #tpu.memory_space<semaphore_mem>>) src(%arg6 : memref<128x128xf32, #tpu.memory_space<vmem>>) dst(%dma_wait3A_165 : memref<128x128xf32, #tpu.memory_space<hbm>>)
    %dma_wait3A_166 = arith.constant 0 : i32
    %dma_wait3A_167 = arith.constant 0 : i32
    %dma_wait3A_168 = tpu.memref_slice %arg4[%dma_wait3A_166, %dma_wait3A_167] : memref<229376x128xf32, #tpu.memory_space<hbm>> -> memref<128x128xf32, #tpu.memory_space<hbm>>
    %dma_wait3A_169 = arith.constant 0 : i32
    %dma_wait3A_170 = arith.constant 0 : i32
    %dma_wait3A_171 = tpu.memref_slice %arg4[%dma_wait3A_169, %dma_wait3A_170] : memref<229376x128xf32, #tpu.memory_space<hbm>> -> memref<128x128xf32, #tpu.memory_space<hbm>>
    tpu.wait_dma2 semaphore(%arg21 : memref<!tpu.dma_semaphore, #tpu.memory_space<semaphore_mem>>) src(%arg7 : memref<128x128xf32, #tpu.memory_space<vmem>>) dst(%dma_wait3A_171 : memref<128x128xf32, #tpu.memory_space<hbm>>)
    %dma_wait3A_172 = arith.constant 0 : i32
    %dma_wait3A_173 = arith.constant 0 : i32
    %dma_wait3A_174 = tpu.memref_slice %arg4[%dma_wait3A_172, %dma_wait3A_173] : memref<229376x128xf32, #tpu.memory_space<hbm>> -> memref<128x128xf32, #tpu.memory_space<hbm>>
    %dma_wait3A_175 = arith.constant 0 : i32
    %dma_wait3A_176 = arith.constant 0 : i32
    %dma_wait3A_177 = tpu.memref_slice %arg4[%dma_wait3A_175, %dma_wait3A_176] : memref<229376x128xf32, #tpu.memory_space<hbm>> -> memref<128x128xf32, #tpu.memory_space<hbm>>
    tpu.wait_dma2 semaphore(%arg22 : memref<!tpu.dma_semaphore, #tpu.memory_space<semaphore_mem>>) src(%arg8 : memref<128x128xf32, #tpu.memory_space<vmem>>) dst(%dma_wait3A_177 : memref<128x128xf32, #tpu.memory_space<hbm>>)
    %dma_wait3A_178 = arith.constant 0 : i32
    %dma_wait3A_179 = arith.constant 0 : i32
    %dma_wait3A_180 = tpu.memref_slice %arg4[%dma_wait3A_178, %dma_wait3A_179] : memref<229376x128xf32, #tpu.memory_space<hbm>> -> memref<128x128xf32, #tpu.memory_space<hbm>>
    %dma_wait3A_181 = arith.constant 0 : i32
    %dma_wait3A_182 = arith.constant 0 : i32
    %dma_wait3A_183 = tpu.memref_slice %arg4[%dma_wait3A_181, %dma_wait3A_182] : memref<229376x128xf32, #tpu.memory_space<hbm>> -> memref<128x128xf32, #tpu.memory_space<hbm>>
    tpu.wait_dma2 semaphore(%arg23 : memref<!tpu.dma_semaphore, #tpu.memory_space<semaphore_mem>>) src(%arg9 : memref<128x128xf32, #tpu.memory_space<vmem>>) dst(%dma_wait3A_183 : memref<128x128xf32, #tpu.memory_space<hbm>>)
    %dma_wait3A_184 = arith.constant 0 : i32
    %dma_wait3A_185 = arith.constant 0 : i32
    %dma_wait3A_186 = tpu.memref_slice %arg4[%dma_wait3A_184, %dma_wait3A_185] : memref<229376x128xf32, #tpu.memory_space<hbm>> -> memref<128x128xf32, #tpu.memory_space<hbm>>
    %dma_wait3A_187 = arith.constant 0 : i32
    %dma_wait3A_188 = arith.constant 0 : i32
    %dma_wait3A_189 = tpu.memref_slice %arg4[%dma_wait3A_187, %dma_wait3A_188] : memref<229376x128xf32, #tpu.memory_space<hbm>> -> memref<128x128xf32, #tpu.memory_space<hbm>>
    tpu.wait_dma2 semaphore(%arg24 : memref<!tpu.dma_semaphore, #tpu.memory_space<semaphore_mem>>) src(%arg10 : memref<128x128xf32, #tpu.memory_space<vmem>>) dst(%dma_wait3A_189 : memref<128x128xf32, #tpu.memory_space<hbm>>)
    %dma_wait3A_190 = arith.constant 0 : i32
    %dma_wait3A_191 = arith.constant 0 : i32
    %dma_wait3A_192 = tpu.memref_slice %arg4[%dma_wait3A_190, %dma_wait3A_191] : memref<229376x128xf32, #tpu.memory_space<hbm>> -> memref<128x128xf32, #tpu.memory_space<hbm>>
    %dma_wait3A_193 = arith.constant 0 : i32
    %dma_wait3A_194 = arith.constant 0 : i32
    %dma_wait3A_195 = tpu.memref_slice %arg4[%dma_wait3A_193, %dma_wait3A_194] : memref<229376x128xf32, #tpu.memory_space<hbm>> -> memref<128x128xf32, #tpu.memory_space<hbm>>
    tpu.wait_dma2 semaphore(%arg25 : memref<!tpu.dma_semaphore, #tpu.memory_space<semaphore_mem>>) src(%arg11 : memref<128x128xf32, #tpu.memory_space<vmem>>) dst(%dma_wait3A_195 : memref<128x128xf32, #tpu.memory_space<hbm>>)
    %dma_wait3A_196 = arith.constant 0 : i32
    %dma_wait3A_197 = arith.constant 0 : i32
    %dma_wait3A_198 = tpu.memref_slice %arg4[%dma_wait3A_196, %dma_wait3A_197] : memref<229376x128xf32, #tpu.memory_space<hbm>> -> memref<128x128xf32, #tpu.memory_space<hbm>>
    %dma_wait3A_199 = arith.constant 0 : i32
    %dma_wait3A_200 = arith.constant 0 : i32
    %dma_wait3A_201 = tpu.memref_slice %arg4[%dma_wait3A_199, %dma_wait3A_200] : memref<229376x128xf32, #tpu.memory_space<hbm>> -> memref<128x128xf32, #tpu.memory_space<hbm>>
    tpu.wait_dma2 semaphore(%arg26 : memref<!tpu.dma_semaphore, #tpu.memory_space<semaphore_mem>>) src(%arg12 : memref<128x128xf32, #tpu.memory_space<vmem>>) dst(%dma_wait3A_201 : memref<128x128xf32, #tpu.memory_space<hbm>>)
    return
  }
}

module attributes {stable_mosaic.version = 14 : i64} {
  func.func @_item_tower_body(%arg0: i32, %arg1: memref<2048x384xf32, #tpu.memory_space<vmem>>, %arg2: memref<384x128xf32, #tpu.memory_space<vmem>>, %arg3: memref<1x128xf32, #tpu.memory_space<vmem>>, %arg4: memref<128x64xf32, #tpu.memory_space<vmem>>, %arg5: memref<1x64xf32, #tpu.memory_space<vmem>>, %arg6: memref<64x2048xf32, #tpu.memory_space<vmem>>, %arg7: memref<2048x128xf32, #tpu.memory_space<vmem>>) attributes {dimension_semantics = [#tpu.dimension_semantics<arbitrary>], iteration_bounds = array<i64: 49>, scalar_prefetch = 0 : i64, scratch_operands = 0 : i64, tpu.core_type = #tpu.core_type<tc>, window_params = [{transform_indices = @transform_0, window_bounds = array<i64: 2048, 384>}, {pipeline_mode = #tpu.pipeline_mode<synchronous>, transform_indices = @transform_1, window_bounds = array<i64: 384, 128>}, {pipeline_mode = #tpu.pipeline_mode<synchronous>, transform_indices = @transform_2, window_bounds = array<i64: 1, 128>}, {pipeline_mode = #tpu.pipeline_mode<synchronous>, transform_indices = @transform_3, window_bounds = array<i64: 128, 64>}, {pipeline_mode = #tpu.pipeline_mode<synchronous>, transform_indices = @transform_4, window_bounds = array<i64: 1, 64>}, {transform_indices = @transform_5, window_bounds = array<i64: 64, 2048>}, {transform_indices = @transform_6, window_bounds = array<i64: 2048, 128>}]} {
    %get3A = arith.constant 0 : index
    %get3A_0 = arith.constant 0 : index
    %get3A_1 = vector.load %arg1[%get3A, %get3A_0] : memref<2048x384xf32, #tpu.memory_space<vmem>>, vector<2048x384xf32>
    %get3A_2 = arith.constant 0 : index
    %get3A_3 = arith.constant 0 : index
    %get3A_4 = vector.load %arg2[%get3A_2, %get3A_3] : memref<384x128xf32, #tpu.memory_space<vmem>>, vector<384x128xf32>
    %dot_general3A = arith.constant dense<0.000000e+00> : vector<2048x128xf32>
    %dot_general3A_5 = tpu.matmul %get3A_1, %get3A_4, %dot_general3A {dimension_numbers = #tpu.dot_dimension_numbers<[1], [0], [0], [1], [0, 0, 1, 1], [], []>, transpose_lhs_hint = false} : vector<2048x384xf32>, vector<384x128xf32>, vector<2048x128xf32> -> vector<2048x128xf32>
    %get3A_6 = arith.constant 0 : index
    %get3A_7 = arith.constant 0 : index
    %get3A_8 = vector.load %arg3[%get3A_6, %get3A_7] : memref<1x128xf32, #tpu.memory_space<vmem>>, vector<1x128xf32>
    %add3A = vector.broadcast %get3A_8 : vector<1x128xf32> to vector<2048x128xf32>
    %add3A_9 = arith.addf %dot_general3A_5, %add3A : vector<2048x128xf32>
    %max3A = arith.constant 0.000000e+00 : f32
    %max3A_10 = vector.broadcast %max3A : f32 to vector<2048x128xf32>
    %max3A_11 = arith.maximumf %add3A_9, %max3A_10 : vector<2048x128xf32>
    %get3A_12 = arith.constant 0 : index
    %get3A_13 = arith.constant 0 : index
    %get3A_14 = vector.load %arg4[%get3A_12, %get3A_13] : memref<128x64xf32, #tpu.memory_space<vmem>>, vector<128x64xf32>
    %dot_general3A_15 = arith.constant dense<0.000000e+00> : vector<2048x64xf32>
    %dot_general3A_16 = tpu.matmul %max3A_11, %get3A_14, %dot_general3A_15 {dimension_numbers = #tpu.dot_dimension_numbers<[1], [0], [0], [1], [0, 0, 1, 1], [], []>, transpose_lhs_hint = false} : vector<2048x128xf32>, vector<128x64xf32>, vector<2048x64xf32> -> vector<2048x64xf32>
    %get3A_17 = arith.constant 0 : index
    %get3A_18 = arith.constant 0 : index
    %get3A_19 = vector.load %arg5[%get3A_17, %get3A_18] : memref<1x64xf32, #tpu.memory_space<vmem>>, vector<1x64xf32>
    %add3A_20 = vector.broadcast %get3A_19 : vector<1x64xf32> to vector<2048x64xf32>
    %add3A_21 = arith.addf %dot_general3A_16, %add3A_20 : vector<2048x64xf32>
    %get3A_22 = arith.constant 0 : index
    %get3A_23 = arith.constant 0 : index
    %get3A_24 = vector.load %arg6[%get3A_22, %get3A_23] : memref<64x2048xf32, #tpu.memory_space<vmem>>, vector<64x2048xf32>
    %transpose3A = tpu.transpose %get3A_24, [1, 0] : vector<64x2048xf32> -> vector<2048x64xf32>
    %add3A_25 = arith.addf %add3A_21, %transpose3A : vector<2048x64xf32>
    %broadcast_in_dim3A = arith.constant 0.000000e+00 : f32
    %broadcast_in_dim3A_26 = vector.broadcast %broadcast_in_dim3A : f32 to vector<2048x64xf32>
    %concatenate3A = tpu.concatenate %add3A_25, %broadcast_in_dim3A_26 in 1 : vector<2048x64xf32>, vector<2048x64xf32> -> vector<2048x128xf32>
    %swap3A = arith.constant 0 : index
    %swap3A_27 = arith.constant 0 : index
    %swap3A_28 = vector.load %arg7[%swap3A, %swap3A_27] : memref<2048x128xf32, #tpu.memory_space<vmem>>, vector<2048x128xf32>
    tpu.vector_store %arg7[%swap3A, %swap3A_27], %concatenate3A {strides = array<i32>} : memref<2048x128xf32, #tpu.memory_space<vmem>>, vector<2048x128xf32>,
    return
  }
  func.func @transform_0(%arg0: i32) -> (i32, i32) {
    %c0_i32 = arith.constant 0 : i32
    %c0_i32_0 = arith.constant 0 : i32
    return %arg0, %c0_i32 : i32, i32
  }
  func.func @transform_1(%arg0: i32) -> (i32, i32) {
    %c0_i32 = arith.constant 0 : i32
    %c0_i32_0 = arith.constant 0 : i32
    %c0_i32_1 = arith.constant 0 : i32
    return %c0_i32, %c0_i32_0 : i32, i32
  }
  func.func @transform_2(%arg0: i32) -> (i32, i32) {
    %c0_i32 = arith.constant 0 : i32
    %c0_i32_0 = arith.constant 0 : i32
    %c0_i32_1 = arith.constant 0 : i32
    return %c0_i32, %c0_i32_0 : i32, i32
  }
  func.func @transform_3(%arg0: i32) -> (i32, i32) {
    %c0_i32 = arith.constant 0 : i32
    %c0_i32_0 = arith.constant 0 : i32
    %c0_i32_1 = arith.constant 0 : i32
    return %c0_i32, %c0_i32_0 : i32, i32
  }
  func.func @transform_4(%arg0: i32) -> (i32, i32) {
    %c0_i32 = arith.constant 0 : i32
    %c0_i32_0 = arith.constant 0 : i32
    %c0_i32_1 = arith.constant 0 : i32
    return %c0_i32, %c0_i32_0 : i32, i32
  }
  func.func @transform_5(%arg0: i32) -> (i32, i32) {
    %c0_i32 = arith.constant 0 : i32
    %c0_i32_0 = arith.constant 0 : i32
    return %c0_i32, %arg0 : i32, i32
  }
  func.func @transform_6(%arg0: i32) -> (i32, i32) {
    %c0_i32 = arith.constant 0 : i32
    %c0_i32_0 = arith.constant 0 : i32
    return %arg0, %c0_i32 : i32, i32
  }
}

module attributes {stable_mosaic.version = 14 : i64} {
  func.func @_score_body(%arg0: i32, %arg1: memref<512x56x128xf32, #tpu.memory_space<vmem>>, %arg2: memref<512x128xf32, #tpu.memory_space<vmem>>, %arg3: memref<512x56xf32, #tpu.memory_space<vmem>>) attributes {dimension_semantics = [#tpu.dimension_semantics<arbitrary>], iteration_bounds = array<i64: 8>, scalar_prefetch = 0 : i64, scratch_operands = 0 : i64, tpu.core_type = #tpu.core_type<tc>, window_params = [{transform_indices = @transform_0, window_bounds = array<i64: 512, 56, 128>}, {transform_indices = @transform_1, window_bounds = array<i64: 512, 128>}, {transform_indices = @transform_2, window_bounds = array<i64: 512, 56>}]} {
    %get3A = arith.constant 0 : index
    %get3A_0 = arith.constant 0 : index
    %get3A_1 = arith.constant 0 : index
    %get3A_2 = vector.load %arg1[%get3A, %get3A_0, %get3A_1] : memref<512x56x128xf32, #tpu.memory_space<vmem>>, vector<512x56x128xf32>
    %get3A_3 = arith.constant 0 : index
    %get3A_4 = arith.constant 0 : index
    %get3A_5 = vector.load %arg2[%get3A_3, %get3A_4] : memref<512x128xf32, #tpu.memory_space<vmem>>, vector<512x128xf32>
    %broadcast_in_dim3A = vector.shape_cast %get3A_5 : vector<512x128xf32> to vector<512x1x128xf32>
    %mul3A = vector.broadcast %broadcast_in_dim3A : vector<512x1x128xf32> to vector<512x56x128xf32>
    %mul3A_6 = arith.mulf %get3A_2, %mul3A : vector<512x56x128xf32>
    %reduce_sum3A = arith.constant dense<0.000000e+00> : vector<512x56xf32>
    %reduce_sum3A_7 = vector.multi_reduction <add>, %mul3A_6, %reduce_sum3A [2] : vector<512x56x128xf32> to vector<512x56xf32>
    %swap3A = arith.constant 0 : index
    %swap3A_8 = arith.constant 0 : index
    %swap3A_9 = vector.load %arg3[%swap3A, %swap3A_8] : memref<512x56xf32, #tpu.memory_space<vmem>>, vector<512x56xf32>
    tpu.vector_store %arg3[%swap3A, %swap3A_8], %reduce_sum3A_7 {strides = array<i32>} : memref<512x56xf32, #tpu.memory_space<vmem>>, vector<512x56xf32>,
    return
  }
  func.func @transform_0(%arg0: i32) -> (i32, i32, i32) {
    %c0_i32 = arith.constant 0 : i32
    %c0_i32_0 = arith.constant 0 : i32
    %c0_i32_1 = arith.constant 0 : i32
    return %arg0, %c0_i32, %c0_i32_0 : i32, i32, i32
  }
  func.func @transform_1(%arg0: i32) -> (i32, i32) {
    %c0_i32 = arith.constant 0 : i32
    %c0_i32_0 = arith.constant 0 : i32
    return %arg0, %c0_i32 : i32, i32
  }
  func.func @transform_2(%arg0: i32) -> (i32, i32) {
    %c0_i32 = arith.constant 0 : i32
    %c0_i32_0 = arith.constant 0 : i32
    return %arg0, %c0_i32 : i32, i32
  }
}

</mosaic_0001>

<sc_bundles>
// kernel: gather_offload_async_start
scs
__scs_entry_jumppad:
0x0: {  	(pc) =	sbr.rel $0x88, $3  }
0x1: {  	(tag) =	ssettag $0x0;
	lr =	simm.s32 $0x1  }
0x2: {  	[smem:$0x3F97] =	sst lr;
	_ =	strace $0xD0000000  }
0x3: {  	_ = 	snop  }
0x4: {  	_ = 	snop  }
0x5: {  	_ = 	snop  }
0x6: {  	_ = 	snop  }
0x7: {  	_ = 	snop  }
__scs_overlays_trampoline_lowered:
0x8: {  	[smem:$0x3FA6] =	sst s0  }
0x9: {  	[smem:$0x3FA7] =	sst s1  }
0xa: {  	[smem:$0x3FA8] =	sst s2  }
0xb: {  	[smem:$0x3FA9] =	sst s3  }
0xc: {  	[smem:$0x3FAA] =	sst s4  }
0xd: {  	[smem:$0x3FAB] =	sst s5  }
0xe: {  	[smem:$0x3FAC] =	sst s6  }
0xf: {  	[smem:$0x3FAD] =	sst s7  }
0x10: {  	[smem:$0x3FAE] =	sst s8  }
0x11: {  	[smem:$0x3FAF] =	sst s9;
	s0 =	simm.s32 @!p0 $0x0  }
0x12: {  	s1 =	sld [smem:$0x3F95];
	s0 =	simm.s32 @p0 $0x1  }
0x13: {  	[smem:$0x3FB0] =	sst s0;
	s0 =	simm.s32 @!p1 $0x0  }
0x14: {  	s2 =	sld [smem:$0x3F94];
	s0 =	simm.s32 @p1 $0x1  }
0x15: {  	[smem:$0x3FB1] =	sst s0;
	s0 =	simm.s32 @!p2 $0x0  }
0x16: {  	s3 =	sld [smem:$0x3FDB];
	s0 =	simm.s32 @p2 $0x1  }
0x17: {  	s4 =	simm.s32 $0x1BF5;
	[smem:$0x3FB3] =	sst s0  }
0x18: {  	s0 =	sld [smem:$0x3F96];
	_ =	swait.ge [sflag:s4], $0x0  }
0x19: {  	s7 =	sld [smem:$0x3F97]  }
0x1a: {  	s8 =	sadd.s32 $0xFFFFE003, lr  }
0x1b: {  	s9 =	sadd.s32 $0xFFFFFEF7, lr;
	s5 =	simm.s32 $0xFFFFFFFF;
	p2 =	slt.u32 s8, $0xFFFFF086  }
0x1c: {  	p1 =	slt.u32 s9, $0xF7A;
	s5 =	simm.s32 @!p2 $0x0  }
0x1d: {  	s5 =	simm.s32 @p1 $0x1;
	p0 =	seq.s32 s7, s2  }
0x1e: {  	s7 =	smul.u32 @!p0 $0xF7A, s2;
	p2 =	seq.s32 @!p0 s5, $0x0  }
0x1f: {  	s9 =	smul.u32 $0xF7A, s1;
	s8 =	simm.s32 @!p0 $0x1BF5;
	p2 =	por !p2, p0  }
0x20: {  	[sflag:s8] =	ssyncset.s32 @!p0 $0xFFFFF086;
	s6 =	sadd.s32 @!p0 s3, s7;
	s7 =	simm.s32 @!p0 $0x108  }
0x21: {  	s3 =	sadd.s32 s3, s9;
	s6 =	sadd.s32 @!p0 $0x88, s6;
	s7 =	simm.s32 @p2 $0x1082  }
0x22: {  	[simem:s7], [sflag:s8] =	dma.local @!p0 [hbm:s6], $0xF7A  }
0x23: {  	s9 =	sor.u32 $0xD0000000, s2;
	s6 =	simm.s32 $0x108;
	_ =	swait.ge @!p0 [sflag:s8], $0x0  }
0x24: {  	s3 =	sadd.s32 $0x88, s3;
	s6 =	simm.s32 @!p1 $0x1082;
	[sflag:s4] =	ssyncset.s32 $0xFFFFF086  }
0x25: {  	[simem:s6], [sflag:s4] =	dma.local [hbm:s3], $0xF7A  }
0x26: {  	[smem:$0x3F97] =	sst s1;
	(tag) =	ssettag s2;
	_ =	strace s9  }
0x27: {  	s1 =	sld [smem:$0x3FA7]  }
0x28: {  	s2 =	sld [smem:$0x3FA8]  }
0x29: {  	s4 =	sld [smem:$0x3FAA]  }
0x2a: {  	p0 =	seq.s32 s5, $0x0;
	s5 =	sld [smem:$0x3FAB]  }
0x2b: {  	s6 =	sld [smem:$0x3FAC]  }
0x2c: {  	s7 =	sld [smem:$0x3FAD]  }
0x2d: {  	s3 =	simm.s32 $0x108;
	s8 =	sld [smem:$0x3FAE]  }
0x2e: {  	s3 =	simm.s32 @!p0 $0x1082;
	s9 =	sld [smem:$0x3FAF]  }
0x2f: {  	lr =	sadd.s32 s0, s3;
	s0 =	sld [smem:$0x3FA6]  }
0x30: {  	s3 =	sld [smem:$0x3FA9]  }
0x31: {  	[smem:$0x3FB2] =	sst s10  }
0x32: {  	s10 =	sld [smem:$0x3FB0];
	_ =	sdelay $0x3  }
0x33: {  	p0 =	seq.s32 s10, $0x1;
	s10 =	sld [smem:$0x3FB2];
	_ =	sdelay $0x3  }
0x34: {  	[smem:$0x3FB2] =	sst s10  }
0x35: {  	s10 =	sld [smem:$0x3FB1];
	_ =	sdelay $0x3  }
0x36: {  	p1 =	seq.s32 s10, $0x1;
	s10 =	sld [smem:$0x3FB2];
	_ =	sdelay $0x3  }
0x37: {  	[smem:$0x3FB2] =	sst s10  }
0x38: {  	s10 =	sld [smem:$0x3FB3]  }
0x39: {  	_ = 	snop;
	(pc) =	sbr.ind lr, $3  }
0x3a: {  	_ = 	snop  }
0x3b: {  	_ = 	snop  }
0x3c: {  	p2 =	seq.s32 s10, $0x1;
	s10 =	sld [smem:$0x3FB2]  }
0x3d: {  	_ =	shalt  }
0x3e: {  	_ =	shalt  }
0x3f: {  	_ =	shalt  }
0x40: {  	_ =	shalt  }
0x41: {  	_ =	shalt  }
0x42: {  	_ =	shalt  }
0x43: {  	_ =	shalt  }
0x44: {  	_ =	shalt  }
0x45: {  	_ =	shalt  }
0x46: {  	_ =	shalt  }
0x47: {  	_ =	shalt  }
0x48: {  	_ =	shalt  }
0x49: {  	_ =	shalt  }
0x4a: {  	_ =	shalt  }
0x4b: {  	_ =	shalt  }
0x4c: {  	_ =	shalt  }
0x4d: {  	_ =	shalt  }
0x4e: {  	_ =	shalt  }
0x4f: {  	_ =	shalt  }
0x50: {  	_ =	shalt  }
0x51: {  	_ =	shalt  }
0x52: {  	_ =	shalt  }
0x53: {  	_ =	shalt  }
0x54: {  	_ =	shalt  }
0x55: {  	_ =	shalt  }
0x56: {  	_ =	shalt  }
0x57: {  	_ =	shalt  }
0x58: {  	_ =	shalt  }
0x59: {  	_ =	shalt  }
0x5a: {  	_ =	shalt  }
0x5b: {  	_ =	shalt  }
0x5c: {  	_ =	shalt  }
0x5d: {  	_ =	shalt  }
0x5e: {  	_ =	shalt  }
0x5f: {  	_ =	shalt  }
0x60: {  	_ =	shalt  }
0x61: {  	_ =	shalt  }
0x62: {  	_ =	shalt  }
0x63: {  	_ =	shalt  }
0x64: {  	_ =	shalt  }
0x65: {  	_ =	shalt  }
0x66: {  	_ =	shalt  }
0x67: {  	_ =	shalt  }
0x68: {  	_ =	shalt  }
0x69: {  	_ =	shalt  }
0x6a: {  	_ =	shalt  }
0x6b: {  	_ =	shalt  }
0x6c: {  	_ =	shalt  }
0x6d: {  	_ =	shalt  }
0x6e: {  	_ =	shalt  }
0x6f: {  	_ =	shalt  }
0x70: {  	_ =	shalt  }
0x71: {  	_ =	shalt  }
0x72: {  	_ =	shalt  }
0x73: {  	_ =	shalt  }
0x74: {  	_ =	shalt  }
0x75: {  	_ =	shalt  }
0x76: {  	_ =	shalt  }
0x77: {  	_ =	shalt  }
0x78: {  	_ =	shalt  }
0x79: {  	_ =	shalt  }
0x7a: {  	_ =	shalt  }
0x7b: {  	_ =	shalt  }
0x7c: {  	_ =	shalt  }
0x7d: {  	_ =	shalt  }
0x7e: {  	_ =	shalt  }
0x7f: {  	_ =	shalt  }
0x80: {  	_ =	shalt  }
0x81: {  	_ =	shalt  }
0x82: {  	_ =	shalt  }
0x83: {  	_ =	shalt  }
0x84: {  	_ =	shalt  }
0x85: {  	_ =	shalt  }
0x86: {  	_ =	shalt  }
0x87: {  	_ =	shalt  }
.Lfunc_end0:
.L_simem_size_0:
called_computation_lowered:
.L_overlay_start_0:
0x88: {  	s2 =	sld [smem:$0x3FD9]  }
0x89: {  	s3 =	sld [smem:$0x3FFE];
	_ =	sdelay $0x1  }
0x8a: {  	s1 =	srdreg.scid  }
0x8b: {  	s0 =	sand.u32 $0x1, s1  }
0x8c: {  	s17 =	sshll.u32 s0, $0xA;
	s2 =	sadd.s32 s3, s2  }
0x8d: {  	s2 =	sadd.s32 s2, s17  }
0x8e: {  	[smem:$0x3FBE] =	sst s2  }
0x8f: {  	_ = 	snop  }
0x90: {  	s2 =	sld [smem:$0x3FC6];
	(tm) =	ssettm $0x1  }
0x91: {  	s18 =	sld [smem:$0x3FFB];
	_ =	sdelay $0x3  }
0x92: {  	_ =	strace s18  }
0x93: {  	s3 =	sld [smem:$0x3FFC];
	_ =	sdelay $0x3  }
0x94: {  	_ =	strace s3  }
0x95: {  	s3 =	sld [smem:$0x3FFD];
	_ =	sdelay $0x3  }
0x96: {  	_ =	strace s3  }
0x97: {  	_ =	strace $0x8FFFFFFF  }
0x98: {  	s19 =	sld [smem:$0x3FDB];
	_ =	sdelay $0x1  }
0x99: {  	s4 =	simm.s32 $_scs_section_size  }
0x9a: {  	s5 =	simm.s32 $_size__tile_overlayer_lowered;
	s6 =	simm.s32 $_tile_overlayer_lowered  }
0x9b: {  	s22 =	simm.s32 $0x1BFF;
	s21 =	sshll.u32 s6, $0x1;
	s3 =	sadd.s32 s4, s19  }
0x9c: {  	s7 =	simm.s32 $0x0;
	s20 =	sshll.u32 s5, $0x1;
	s5 =	sadd.s32 s21, s3  }
0x9d: {  	[timem:s7], [sflag:s22] =	dma.local [hbm:s5], s20  }
0x9e: {  	_ =	swait.ge [sflag:s22], s20  }
0x9f: {  	s4 =	ssub.s32 $0x0, s20;
	[sflag:s22] =	ssyncset.done $0x0  }
0xa0: {  	[sflag:s22] =	ssyncadd.s32 s4;
	_ =	sdelay $0x1  }
0xa1: {  	s23 =	simm.s32 $0x1B8B  }
0xa2: {  	_ =	swait.ge [sflag:s23], $0x1  }
0xa3: {  	[sflag:s23] =	ssyncset.done $0x0  }
0xa4: {  	s25 =	simm.s32 $0x1B8E;
	s24 =	sld [smem:$0x3FFE];
	[sflag:s23] =	ssyncadd.s32 $0xFFFFFFFF  }
0xa5: {  	s26 =	simm.s32 $execute0_lowered;
	[smem:$0x3FD2] =	sst s25  }
0xa6: {  	s5 =	sshll.u32 s26, $0x1;
	_ =	strace $0x80000046;
	[dreg:$0x1] =	wrdreg $0xFFFFFFFF  }
0xa7: {  	s28 =	simm.s32 $_size_execute0_lowered;
	s3 =	sadd.s32 s3, s5;
	[dreg:$0x0] =	wrdreg $0x0  }
0xa8: {  	s5 =	sshll.u32 s28, $0x1;
	[dreg:$0x2] =	wrdreg s3  }
0xa9: {  	[dreg:$0x3] =	wrdreg s5  }
0xaa: {  	[dreg:$0x4] =	wrdreg $0xC0  }
0xab: {  	_ =	task [dreg:s7], $0x5FFFF  }
0xac: {  	[dreg:$0x1] =	wrdreg $0xFFFFFFFF  }
0xad: {  	[dreg:$0x0] =	wrdreg $0x60  }
0xae: {  	[dreg:$0x2] =	wrdreg s2  }
0xaf: {  	[dreg:$0x3] =	wrdreg s24  }
0xb0: {  	[dreg:$0x4] =	wrdreg $0x9  }
0xb1: {  	_ =	task.clear_ibuf [dreg:s7], $0x5FFFF;
	_ =	strace $0x90000046  }
0xb2: {  	s29 =	simm.s32 $0x9;
	_ =	strace $0x80000048  }
0xb3: {  	_ =	swait.ge [sflag:s29], $0x1  }
0xb4: {  	[sflag:s29] =	ssyncadd.s32 $0xFFFFFFFF  }
0xb5: {  	_ =	strace $0x90000048  }
0xb6: {  	_ =	sfence  }
0xb7: {  	s30 =	sld [smem:$0x0];
	_ =	sdelay $0x2  }
0xb8: {  	s31 =	sshll.u32 s1, $0xD;
	s1 =	sshrl.u32 s1, $0x2  }
0xb9: {  	s3 =	sand.u32 $0x4000, s31;
	s1 =	sadd.s32 s1, s30  }
0xba: {  	s0 =	sor.u32 s3, s0;
	s1 =	sshll.u32 s1, $0x11  }
0xbb: {  	s0 =	sor.u32 s1, s0  }
0xbc: {  	s0 =	sadd.s32 $0x8F2B, s0  }
0xbd: {  	[sflag:s0] =	ssyncadd.remote.s32 $0x1  }
0xbe: {  	_ =	sfence.sel $0xFFFF  }
0xbf: {  	[dreg:$0x0] =	wrdreg $0xFFFFFFFF;
	(pc) =	sbr.abs _section_cstart, $3  }
0xc0: {  	[dreg:$0x1] =	wrdreg $0xFFFFFFFF  }
0xc1: {  	_ =	task.clear_ibuf [dreg:s7], $0x2FFFF;
	_ =	strace $0x9FFFFFFF  }
0xc2: {  	(tm) =	ssettm $0x7FFFFFFF  }
0xc3: {  	_ =	shalt  }
tec
execute0_lowered:
.L_overlay_start_1:
0x0: {  	(tag) =	ssettag $0x1  }
0x1: {  	s1 =	srdreg.scid;
	s2 =	rddreg [dreg:$0x0]  }
0x2: {  	s0 =	stileid.u32;
	s5 =	rddreg [dreg:$0x1];
	s6 =	simm.s32 $0x1  }
0x3: {  	s9 =	simm.s32 $0x1;
	s10 =	simm.s32 $0x3;
	s1 =	sshll.u32 s1, $0xC  }
0x4: {  	s13 =	simm.s32 $0x0;
	s3 =	sshll.u32 s0, $0xD;
	s4 =	sand.u32 $0x1000, s1  }
0x5: {  	s12 =	simm.s32 $0x0;
	s1 =	rddreg [dreg:$0x2];
	s3 =	sor.u32 s3, s4  }
0x6: {  	_ =	strace $0x80000047;
	s4 =	sadd.s32 $0x2000, s5;
	s8 =	ssub.s32 $0x40000, s3  }
.Ltmp0:
0x7: {  	s5 =	sadd.s32 $0xA000, s5;
	s7 =	sand.u32 $0x1F000, s8;
	(pc) =	sbr.rel .LBB2_1-.Ltmp0, $4  }
0x8: {  	[sflag:s6] =	ssyncpa.u1 $0x0;
	s11 =	smov.u32 s3;
	p0 =	sne.s32 s7, $0x0  }
0x9: {  	s8 =	sshrl.u32 s8, $0x11;
	s7 =	simm.s32 $0x2;
	s9 =	simm.s32 @!p0 $0x0  }
0xa: {  	[sflag:s7] =	ssyncpa.u1 $0x0;
	p0 =	por $0x0, $0x0;
	s8 =	sadd.s32 s9, s8  }
0xb: {  	vm0 =	vmmov $0xffff;
	[sflag:s10] =	ssyncpa.u1 $0x0;
	s10 =	simm.s32 $0x0;
	s9 =	sadd.s32 $0x1, s8  }
.LBB2_4:
0xc: {  	vm1 =	veq.s32 v4, $0x80000000;
	v56 =	vand.u32 $0x3F, v4;
	v6 =	vand.u32 $0xFFFFF, v6  }
0xd: {  	v2 =	vor.u32 v2, v5;
	v59 =	vshrl.u32 v1, $0x6;
	v60 =	vand.u32 $0x3F, v1  }
0xe: {  	v4 =	vsel vm1, $0xFFFFFFFF, v56;
	v6 =	vsel vm1, $0xFFFFFFFF, v6;
	v2 =	vor.u32 v3, v2  }
0xf: {  	vm1 =	veq.s32 v1, $0x80000000;
	v5 =	vand.u32 $0xFFFFF, v59;
	v7 =	vshrl.u32 v4, $0x3  }
0x10: {  	v57 =	vshll.u32 v6, $0x3;
	v4 =	vshll.u32 v4, $0x7;
	v1 =	vsel vm1, $0xFFFFFFFF, v60  }
0x11: {  	v5 =	vsel vm1, $0xFFFFFFFF, v5;
	v6 =	vand.u32 $0x7F, v6;
	v7 =	vmul.u32 $0x7A1400, v7  }
0x12: {  	v58 =	vand.u32 $0xFFFFFC00, v57;
	v4 =	vand.u32 $0x380, v4;
	v61 =	vshrl.u32 v1, $0x3  }
0x13: {  	v62 =	vshll.u32 v5, $0x3;
	v3 =	vadd.s32 v7, v58;
	v7 =	vmul.u32 $0x7A1400, v61  }
0x14: {  	v1 =	vshll.u32 v1, $0x7;
	v3 =	vor.u32 v4, v3;
	v4 =	vand.u32 $0xFFFFFC00, v62  }
0x15: {  	v1 =	vand.u32 $0x380, v1;
	v3 =	vor.u32 v6, v3;
	v4 =	vadd.s32 v7, v4  }
0x16: {  	[tilespmem:s16], [sflag:$0x1] =	stream.indirect_vreg.gather [hbm4b:s2+s10], $0x1, v0, vm0, $0x4038;
	v63 =	vand.u32 $0x7F, v5;
	v1 =	vor.u32 v1, v4;
	[tilespmem:$0x4000] =	vst v63  }
0x17: {  	s15 =	sadd.s32 $0x10, s15;
	(ifvalue) =	ssetifvalue $0x7FFFFFFF;
	v0 =	vor.u32 v63, v1  }
0x18: {  	[tilespmem:s15], [sflag:$0x1] =	stream.indirect_vreg.gather [hbm4b:s2+s10], $0x1, v2, vm0, $0x4038;
	[tilespmem:$0x4000] =	vst v63  }
0x19: {  	s15 =	sadd.s32 $0x10, s15;
	(ifvalue) =	ssetifvalue $0x7FFFFFFF  }
0x1a: {  	[tilespmem:s15], [sflag:$0x1] =	stream.indirect_vreg.gather [hbm4b:s2+s10], $0x1, v3, vm0, $0x4038;
	[tilespmem:$0x4000] =	vst v63  }
0x1b: {  	s15 =	sadd.s32 $0x10, s15;
	(ifvalue) =	ssetifvalue $0x7FFFFFFF  }
0x1c: {  	[tilespmem:s15], [sflag:$0x1] =	stream.indirect_vreg.gather [hbm4b:s2+s10], $0x1, v0, vm0, $0x4038;
	[tilespmem:$0x4000] =	vst v63  }
0x1d: {  	_ =	swait.ge [sflag:s6], $0x1000  }
0x1e: {  	s30 =	sshrl.u32 s13, $0x3;
	[sflag:s6] =	ssyncset.done $0x0  }
0x1f: {  	s31 =	sand.u32 $0x7, s13;
	s15 =	sadd.s32 s5, s30;
	[sflag:s6] =	ssyncadd.s32 $0xFFFFF000  }
0x20: {  	[hbm4b:s15+s31] =	stream.linear.scatter [tilespmem:s14], [sflag:$0x3], $0x1000, $0x38;
	[tilespmem:$0x4000] =	vst v63  }
.LBB2_5:
0x21: {  	s15 =	sadd.s32 $0x20000, s11  }
0x22: {  	p2 =	sgt.s32 s15, $0x3FFFF  }
0x23: {  	s15 =	smov.u32 @p2 s3;
	p2 =	sne.s32 s12, s9  }
.Ltmp1:
0x24: {  	p1 =	slt.u32 s12, $0x2;
	(pc) =	sbr.rel @!p2 .LBB2_6-.Ltmp1, $4  }
0x25: {  	s14 =	simm.s32 @!p1 $0x3  }
0x26: {  	s16 =	sadd.s32 $0x1, s12;
	_ =	swait.ge @!p1 [sflag:s14], $0x1000  }
0x27: {  	s13 =	smov.u32 s11;
	p0 =	por !p0, !p0;
	[sflag:s14] =	ssyncset.done @!p1 $0x0  }
0x28: {  	s12 =	smov.u32 s16;
	s11 =	smov.u32 s15;
	[sflag:s14] =	ssyncadd.s32 @!p1 $0xFFFFF000  }
.LBB2_1:
0x29: {  	p1 =	sge.u32 s12, s8  }
0x2a: {  	s14 =	sxor.u32 @!p1 $0xFFFFFFFF, s12  }
0x2b: {  	s31 =	sadd.s32 $0xFFFFFFFF, s12;
	s15 =	sshrl.u32 @!p1 s11, $0x3;
	s14 =	sshll.u32 @!p1 s14, $0xC  }
0x2c: {  	s16 =	sand.u32 @!p1 $0x7, s11;
	s15 =	sadd.s32 @!p1 s4, s15;
	s14 =	sand.u32 @!p1 $0x1000, s14  }
0x2d: {  	[tilespmem:s14], [sflag:$0x2] =	stream.linear.gather @!p1 [hbm4b:s15+s16], $0x1000, $0x38;
	[tilespmem:$0x4000] =	vst v63  }
0x2e: {  	p1 =	sge.u32 s31, s8  }
.Ltmp2:
0x2f: {  	_ = 	snop;
	(pc) =	sbr.rel @p1 .LBB2_5-.Ltmp2, $1  }
0x30: {  	_ =	sdelay $0x3  }
0x31: {  	s14 =	simm.s32 $0x1  }
0x32: {  	_ =	swait.ge [sflag:s7], $0x1000;
	s14 =	simm.s32 @!p0 $0x0  }
0x33: {  	[sflag:s7] =	ssyncset.done $0x0;
	s14 =	sshll.u32 s14, $0xC  }
0x34: {  	[sflag:s7] =	ssyncadd.s32 $0xFFFFF000;
	(ifvalue) =	ssetifvalue $0x7FFFFFFF;
	v0 =	vld.msk [tilespmem:s14+$0x0 ss:$0x1], $0xffff  }
0x35: {  	s15 =	sadd.s32 $0x10, s14  }
0x36: {  	v1 =	vld.msk [tilespmem:s15+$0x0 ss:$0x1], $0xffff;
	_ =	sdelay $0x2  }
0x37: {  	v2 =	vshrl.u32 v0, $0x6  }
0x38: {  	vm1 =	veq.s32 v0, $0x80000000;
	v0 =	vand.u32 $0x3F, v0;
	v2 =	vand.u32 $0xFFFFF, v2  }
0x39: {  	v0 =	vsel vm1, $0xFFFFFFFF, v0;
	v6 =	vshrl.u32 v1, $0x6;
	v2 =	vsel vm1, $0xFFFFFFFF, v2  }
0x3a: {  	v3 =	vshrl.u32 v0, $0x3;
	v0 =	vshll.u32 v0, $0x7;
	vm1 =	veq.s32 v1, $0x80000000  }
0x3b: {  	s15 =	sadd.s32 $0x10, s15;
	v1 =	vand.u32 $0x3F, v1;
	v4 =	vshll.u32 v2, $0x3;
	v3 =	vmul.u32 $0x7A1400, v3  }
0x3c: {  	v0 =	vand.u32 $0x380, v0;
	v7 =	vand.u32 $0x7F, v2;
	v5 =	vand.u32 $0xFFFFFC00, v4;
	v4 =	vld.msk [tilespmem:s15+$0x0 ss:$0x1], $0xffff  }
0x3d: {  	v1 =	vsel vm1, $0xFFFFFFFF, v1;
	v2 =	vadd.s32 v3, v5;
	v3 =	vand.u32 $0xFFFFF, v6  }
0x3e: {  	v3 =	vsel vm1, $0xFFFFFFFF, v3;
	v0 =	vor.u32 v0, v2;
	v2 =	vshrl.u32 v1, $0x3  }
0x3f: {  	s16 =	sshll.u32 s12, $0xC;
	s18 =	simm.s32 $0x30;
	v1 =	vshll.u32 v1, $0x7;
	v5 =	vshll.u32 v3, $0x3;
	v8 =	vmul.u32 $0x7A1400, v2  }
0x40: {  	s31 =	sand.u32 $0x1000, s16;
	s17 =	sadd.s32 $0x10, s15;
	s15 =	sor.u32 $0x2000, s14;
	v2 =	vand.u32 $0x380, v1;
	v0 =	vor.u32 v7, v0;
	v5 =	vand.u32 $0xFFFFFC00, v5  }
0x41: {  	s14 =	sor.u32 $0x2000, s31;
	s16 =	smov.u32 s15;
	v1 =	vld.msk [tilespmem:s17+$0x0 ss:$0x1], $0xffff;
	v3 =	vand.u32 $0x7F, v3;
	(ifvalue) =	ssetifvalue $0x7FFFFFFF;
	v6 =	vshrl.u32 v4, $0x6;
	v5 =	vadd.s32 v8, v5  }
.LBB2_3:
0x42: {  	s18 =	sadd.s32 $0x10, s18  }
0x43: {  	vm1 =	veq.s32 v4, $0x80000000;
	v4 =	vand.u32 $0x3F, v4;
	v6 =	vand.u32 $0xFFFFF, v6;
	s15 =	sadd.s32 $0x10, s15;
	p1 =	slt.u32 s18, $0xFF0  }
.Ltmp3:
0x44: {  	v5 =	vor.u32 v2, v5;
	v4 =	vsel vm1, $0xFFFFFFFF, v4;
	v7 =	vsel vm1, $0xFFFFFFFF, v6;
	(pc) =	sbr.rel @p1 .LBB2_3-.Ltmp3, $4  }
0x45: {  	v2 =	vshrl.u32 v4, $0x3;
	v6 =	vshll.u32 v7, $0x3;
	v4 =	vshll.u32 v4, $0x7;
	[tilespmem:s16], [sflag:$0x1] =	stream.indirect_vreg.gather [hbm4b:s2+s10], $0x1, v0, vm0, $0x4038;
	[tilespmem:$0x4000] =	vst v63  }
0x46: {  	v0 =	vor.u32 v3, v5;
	s16 =	smov.u32 s15;
	v8 =	vmul.u32 $0x7A1400, v2;
	v2 =	vand.u32 $0x380, v4  }
0x47: {  	s17 =	sadd.s32 $0x10, s17;
	v9 =	vand.u32 $0xFFFFFC00, v6  }
0x48: {  	v3 =	vand.u32 $0x7F, v7;
	v6 =	vshrl.u32 v1, $0x6;
	v5 =	vadd.s32 v8, v9;
	(ifvalue) =	ssetifvalue $0x7FFFFFFF;
	v4 =	vmovc v1;
	v1 =	vld.msk [tilespmem:s17+$0x0 ss:$0x1], $0xffff  }
.Ltmp4:
0x49: {  	_ = 	snop;
	(pc) =	sbr.rel .LBB2_4-.Ltmp4, $1  }
0x4a: {  	_ =	sdelay $0x3  }
.LBB2_6:
0x4b: {  	_ =	sfence.sel $0x180000  }
0x4c: {  	s2 =	simm.s32 $0x2;
	[bflag:$0x0] =	sbarrier.arrive $0xFFFF  }
0x4d: {  	s30 =	simm.s32 $0x3;
	[sflag:s2] =	ssyncpa.u1 $0x1  }
0x4e: {  	s31 =	simm.s32 $0x1;
	[sflag:s30] =	ssyncpa.u1 $0x1  }
0x4f: {  	[sflag:s31] =	ssyncpa.u1 $0x1  }
0x50: {  	p0 =	sne.s32 s0, $0x0;
	_ =	strace $0x90000047  }
0x51: {  	s0 =	sadd.s32 @!p0 $0x100000, s1;
	[bflag:$0x2] =	sbarrier.arrive $0xFFFF  }
0x52: {  	[sflag:s0] =	ssyncadd.tile.s32 @!p0 $0x1;
	_ =	shalt  }
.Lfunc_end2:
_tile_overlayer_lowered:
.L_overlay_start_2:
0x53: {  	(tag) =	ssettag $0x2  }
0x54: {  	s0 =	rddreg [dreg:$0x0];
	s2 =	stileid.u32  }
0x55: {  	s1 =	rddreg [dreg:$0x1];
	p0 =	sne.s32 s2, $0x0  }
0x56: {  	s3 =	rddreg [dreg:$0x2];
	[bflag:$0x3] =	sbarrier.arrive $0xFFFF;
	s2 =	simm.s32 @!p0 $0x1C01  }
0x57: {  	[timem:s3], [sflag:s2] =	dma.local @!p0 [hbm:s0], s1  }
0x58: {  	s0 =	simm.s32 @!p0 $0x1  }
0x59: {  	_ =	swait.ge @!p0 [sflag:s0], s1  }
0x5a: {  	s1 =	ssub.s32 @!p0 $0x0, s1;
	[sflag:s0] =	ssyncset.done @!p0 $0x0  }
0x5b: {  	[sflag:s0] =	ssyncadd.s32 @!p0 s1  }
0x5c: {  	[bflag:$0x3] =	sbarrier.arrive $0xFFFF  }
0x5d: {  	_ =	shalt  }

// kernel: kernel.5.cloned.1.call-start
scs
__scs_entry_jumppad:
0x0: {  	(pc) =	sbr.rel $0x88, $3  }
0x1: {  	(tag) =	ssettag $0x0;
	lr =	simm.s32 $0x1  }
0x2: {  	[smem:$0x3F97] =	sst lr;
	_ =	strace $0xD0000000  }
0x3: {  	_ = 	snop  }
0x4: {  	_ = 	snop  }
0x5: {  	_ = 	snop  }
0x6: {  	_ = 	snop  }
0x7: {  	_ = 	snop  }
__scs_overlays_trampoline_lowered:
0x8: {  	[smem:$0x3FA6] =	sst s0  }
0x9: {  	[smem:$0x3FA7] =	sst s1  }
0xa: {  	[smem:$0x3FA8] =	sst s2  }
0xb: {  	[smem:$0x3FA9] =	sst s3  }
0xc: {  	[smem:$0x3FAA] =	sst s4  }
0xd: {  	[smem:$0x3FAB] =	sst s5  }
0xe: {  	[smem:$0x3FAC] =	sst s6  }
0xf: {  	[smem:$0x3FAD] =	sst s7  }
0x10: {  	[smem:$0x3FAE] =	sst s8  }
0x11: {  	[smem:$0x3FAF] =	sst s9;
	s0 =	simm.s32 @!p0 $0x0  }
0x12: {  	s1 =	sld [smem:$0x3F95];
	s0 =	simm.s32 @p0 $0x1  }
0x13: {  	[smem:$0x3FB0] =	sst s0;
	s0 =	simm.s32 @!p1 $0x0  }
0x14: {  	s2 =	sld [smem:$0x3F94];
	s0 =	simm.s32 @p1 $0x1  }
0x15: {  	[smem:$0x3FB1] =	sst s0;
	s0 =	simm.s32 @!p2 $0x0  }
0x16: {  	s3 =	sld [smem:$0x3FDB];
	s0 =	simm.s32 @p2 $0x1  }
0x17: {  	s4 =	simm.s32 $0x1BF5;
	[smem:$0x3FB3] =	sst s0  }
0x18: {  	s0 =	sld [smem:$0x3F96];
	_ =	swait.ge [sflag:s4], $0x0  }
0x19: {  	s7 =	sld [smem:$0x3F97]  }
0x1a: {  	s8 =	sadd.s32 $0xFFFFE003, lr  }
0x1b: {  	s9 =	sadd.s32 $0xFFFFFEF7, lr;
	s5 =	simm.s32 $0xFFFFFFFF;
	p2 =	slt.u32 s8, $0xFFFFF086  }
0x1c: {  	p1 =	slt.u32 s9, $0xF7A;
	s5 =	simm.s32 @!p2 $0x0  }
0x1d: {  	s5 =	simm.s32 @p1 $0x1;
	p0 =	seq.s32 s7, s2  }
0x1e: {  	s7 =	smul.u32 @!p0 $0xF7A, s2;
	p2 =	seq.s32 @!p0 s5, $0x0  }
0x1f: {  	s9 =	smul.u32 $0xF7A, s1;
	s8 =	simm.s32 @!p0 $0x1BF5;
	p2 =	por !p2, p0  }
0x20: {  	[sflag:s8] =	ssyncset.s32 @!p0 $0xFFFFF086;
	s6 =	sadd.s32 @!p0 s3, s7;
	s7 =	simm.s32 @!p0 $0x108  }
0x21: {  	s3 =	sadd.s32 s3, s9;
	s6 =	sadd.s32 @!p0 $0x88, s6;
	s7 =	simm.s32 @p2 $0x1082  }
0x22: {  	[simem:s7], [sflag:s8] =	dma.local @!p0 [hbm:s6], $0xF7A  }
0x23: {  	s9 =	sor.u32 $0xD0000000, s2;
	s6 =	simm.s32 $0x108;
	_ =	swait.ge @!p0 [sflag:s8], $0x0  }
0x24: {  	s3 =	sadd.s32 $0x88, s3;
	s6 =	simm.s32 @!p1 $0x1082;
	[sflag:s4] =	ssyncset.s32 $0xFFFFF086  }
0x25: {  	[simem:s6], [sflag:s4] =	dma.local [hbm:s3], $0xF7A  }
0x26: {  	[smem:$0x3F97] =	sst s1;
	(tag) =	ssettag s2;
	_ =	strace s9  }
0x27: {  	s1 =	sld [smem:$0x3FA7]  }
0x28: {  	s2 =	sld [smem:$0x3FA8]  }
0x29: {  	s4 =	sld [smem:$0x3FAA]  }
0x2a: {  	p0 =	seq.s32 s5, $0x0;
	s5 =	sld [smem:$0x3FAB]  }
0x2b: {  	s6 =	sld [smem:$0x3FAC]  }
0x2c: {  	s7 =	sld [smem:$0x3FAD]  }
0x2d: {  	s3 =	simm.s32 $0x108;
	s8 =	sld [smem:$0x3FAE]  }
0x2e: {  	s3 =	simm.s32 @!p0 $0x1082;
	s9 =	sld [smem:$0x3FAF]  }
0x2f: {  	lr =	sadd.s32 s0, s3;
	s0 =	sld [smem:$0x3FA6]  }
0x30: {  	s3 =	sld [smem:$0x3FA9]  }
0x31: {  	[smem:$0x3FB2] =	sst s10  }
0x32: {  	s10 =	sld [smem:$0x3FB0];
	_ =	sdelay $0x3  }
0x33: {  	p0 =	seq.s32 s10, $0x1;
	s10 =	sld [smem:$0x3FB2];
	_ =	sdelay $0x3  }
0x34: {  	[smem:$0x3FB2] =	sst s10  }
0x35: {  	s10 =	sld [smem:$0x3FB1];
	_ =	sdelay $0x3  }
0x36: {  	p1 =	seq.s32 s10, $0x1;
	s10 =	sld [smem:$0x3FB2];
	_ =	sdelay $0x3  }
0x37: {  	[smem:$0x3FB2] =	sst s10  }
0x38: {  	s10 =	sld [smem:$0x3FB3]  }
0x39: {  	_ = 	snop;
	(pc) =	sbr.ind lr, $3  }
0x3a: {  	_ = 	snop  }
0x3b: {  	_ = 	snop  }
0x3c: {  	p2 =	seq.s32 s10, $0x1;
	s10 =	sld [smem:$0x3FB2]  }
0x3d: {  	_ =	shalt  }
0x3e: {  	_ =	shalt  }
0x3f: {  	_ =	shalt  }
0x40: {  	_ =	shalt  }
0x41: {  	_ =	shalt  }
0x42: {  	_ =	shalt  }
0x43: {  	_ =	shalt  }
0x44: {  	_ =	shalt  }
0x45: {  	_ =	shalt  }
0x46: {  	_ =	shalt  }
0x47: {  	_ =	shalt  }
0x48: {  	_ =	shalt  }
0x49: {  	_ =	shalt  }
0x4a: {  	_ =	shalt  }
0x4b: {  	_ =	shalt  }
0x4c: {  	_ =	shalt  }
0x4d: {  	_ =	shalt  }
0x4e: {  	_ =	shalt  }
0x4f: {  	_ =	shalt  }
0x50: {  	_ =	shalt  }
0x51: {  	_ =	shalt  }
0x52: {  	_ =	shalt  }
0x53: {  	_ =	shalt  }
0x54: {  	_ =	shalt  }
0x55: {  	_ =	shalt  }
0x56: {  	_ =	shalt  }
0x57: {  	_ =	shalt  }
0x58: {  	_ =	shalt  }
0x59: {  	_ =	shalt  }
0x5a: {  	_ =	shalt  }
0x5b: {  	_ =	shalt  }
0x5c: {  	_ =	shalt  }
0x5d: {  	_ =	shalt  }
0x5e: {  	_ =	shalt  }
0x5f: {  	_ =	shalt  }
0x60: {  	_ =	shalt  }
0x61: {  	_ =	shalt  }
0x62: {  	_ =	shalt  }
0x63: {  	_ =	shalt  }
0x64: {  	_ =	shalt  }
0x65: {  	_ =	shalt  }
0x66: {  	_ =	shalt  }
0x67: {  	_ =	shalt  }
0x68: {  	_ =	shalt  }
0x69: {  	_ =	shalt  }
0x6a: {  	_ =	shalt  }
0x6b: {  	_ =	shalt  }
0x6c: {  	_ =	shalt  }
0x6d: {  	_ =	shalt  }
0x6e: {  	_ =	shalt  }
0x6f: {  	_ =	shalt  }
0x70: {  	_ =	shalt  }
0x71: {  	_ =	shalt  }
0x72: {  	_ =	shalt  }
0x73: {  	_ =	shalt  }
0x74: {  	_ =	shalt  }
0x75: {  	_ =	shalt  }
0x76: {  	_ =	shalt  }
0x77: {  	_ =	shalt  }
0x78: {  	_ =	shalt  }
0x79: {  	_ =	shalt  }
0x7a: {  	_ =	shalt  }
0x7b: {  	_ =	shalt  }
0x7c: {  	_ =	shalt  }
0x7d: {  	_ =	shalt  }
0x7e: {  	_ =	shalt  }
0x7f: {  	_ =	shalt  }
0x80: {  	_ =	shalt  }
0x81: {  	_ =	shalt  }
0x82: {  	_ =	shalt  }
0x83: {  	_ =	shalt  }
0x84: {  	_ =	shalt  }
0x85: {  	_ =	shalt  }
0x86: {  	_ =	shalt  }
0x87: {  	_ =	shalt  }
.Lfunc_end0:
.L_simem_size_0:
called_computation.1_lowered:
.L_overlay_start_0:
0x88: {  	s2 =	sld [smem:$0x3FD9]  }
0x89: {  	s3 =	sld [smem:$0x3FFE];
	_ =	sdelay $0x1  }
0x8a: {  	s1 =	srdreg.scid  }
0x8b: {  	s0 =	sand.u32 $0x1, s1  }
0x8c: {  	s15 =	sshll.u32 s0, $0xA;
	s2 =	sadd.s32 s3, s2  }
0x8d: {  	s2 =	sadd.s32 s2, s15  }
0x8e: {  	[smem:$0x3FBE] =	sst s2  }
0x8f: {  	_ = 	snop  }
0x90: {  	s2 =	sld [smem:$0x3FD0];
	_ =	sdelay $0x2  }
0x91: {  	s16 =	simm.s32 $0xB;
	s4 =	simm.s32 $0x10  }
0x92: {  	[smem:s4], [sflag:s16] =	dma.local [hbm:s2], $0x1  }
0x93: {  	_ =	swait.eq [sflag:s16], $0x1  }
0x94: {  	[sflag:s16] =	ssyncset.done $0x0  }
0x95: {  	[sflag:s16] =	ssyncadd.s32 $0xFFFFFFFF  }
0x96: {  	s17 =	sld [smem:$0x11];
	(tm) =	ssettm $0x1  }
0x97: {  	s18 =	sld [smem:$0x3FFB];
	_ =	sdelay $0x3  }
0x98: {  	_ =	strace s18  }
0x99: {  	s2 =	sld [smem:$0x3FFC];
	_ =	sdelay $0x3  }
0x9a: {  	_ =	strace s2  }
0x9b: {  	s2 =	sld [smem:$0x3FFD];
	_ =	sdelay $0x3  }
0x9c: {  	_ =	strace s2  }
0x9d: {  	_ =	strace $0x8FFFFFFF  }
0x9e: {  	s19 =	sld [smem:$0x3FDB];
	_ =	sdelay $0x1  }
0x9f: {  	s20 =	simm.s32 $_scs_section_size  }
0xa0: {  	s5 =	simm.s32 $_size__tile_overlayer_lowered;
	s6 =	simm.s32 $_tile_overlayer_lowered  }
0xa1: {  	s7 =	simm.s32 $0x1BFF;
	s21 =	sshll.u32 s6, $0x1;
	s4 =	sadd.s32 s20, s19  }
0xa2: {  	s22 =	simm.s32 $0x0;
	s5 =	sshll.u32 s5, $0x1;
	s6 =	sadd.s32 s21, s4  }
0xa3: {  	[timem:s22], [sflag:s7] =	dma.local [hbm:s6], s5  }
0xa4: {  	_ =	swait.ge [sflag:s7], s5  }
0xa5: {  	s5 =	ssub.s32 $0x0, s5;
	[sflag:s7] =	ssyncset.done $0x0  }
0xa6: {  	[sflag:s7] =	ssyncadd.s32 s5;
	_ =	sdelay $0x1  }
0xa7: {  	s23 =	simm.s32 $0x1B8B  }
0xa8: {  	_ =	swait.ge [sflag:s23], $0x1  }
0xa9: {  	[sflag:s23] =	ssyncset.done $0x0  }
0xaa: {  	[sflag:s23] =	ssyncadd.s32 $0xFFFFFFFF  }
0xab: {  	s5 =	sld [smem:$0x0]  }
0xac: {  	s6 =	sand.u32 $0xFFFFFFFE, s1  }
0xad: {  	p0 =	sne.s32 s1, s6  }
0xae: {  	s6 =	sshll.u32 @p0 s6, $0xE  }
0xaf: {  	s6 =	sadd.s32 @p0 $0x11B8D, s6;
	s7 =	sshll.u32 @p0 s5, $0x11  }
0xb0: {  	s6 =	sor.u32 @p0 s7, s6  }
0xb1: {  	[sflag:s6] =	ssyncadd.remote.s32 @p0 $0x1;
	_ =	sdelay $0x1  }
0xb2: {  	s6 =	simm.s32 @p0 $0x1B8D  }
0xb3: {  	_ =	swait.eq @p0 [sflag:s6], $0x1  }
0xb4: {  	[sflag:s6] =	ssyncadd.s32 @p0 $0xFFFFFFFF  }
0xb5: {  	s7 =	sshll.u32 @!p0 s1, $0xE  }
0xb6: {  	s7 =	sor.u32 @!p0 $0x4000, s7;
	s6 =	simm.s32 @!p0 $0x1B8D  }
0xb7: {  	s5 =	sshll.u32 @!p0 s5, $0x11;
	s7 =	sadd.s32 @!p0 $0x11B8D, s7;
	_ =	swait.eq @!p0 [sflag:s6], $0x1  }
0xb8: {  	s5 =	sor.u32 @!p0 s5, s7;
	[sflag:s6] =	ssyncadd.s32 @!p0 $0xFFFFFFFF  }
0xb9: {  	s25 =	simm.s32 $0x1B8E;
	s24 =	sld [smem:$0x3FFE];
	[sflag:s5] =	ssyncadd.remote.s32 @!p0 $0x1  }
0xba: {  	s26 =	simm.s32 $execute0_lowered;
	[smem:$0x3FD2] =	sst s25  }
0xbb: {  	s6 =	sshll.u32 s26, $0x1;
	_ =	strace $0x80000049;
	[dreg:$0x1] =	wrdreg $0xFFFFFFFF  }
0xbc: {  	s28 =	simm.s32 $_size_execute0_lowered;
	s4 =	sadd.s32 s4, s6;
	[dreg:$0x0] =	wrdreg $0x0  }
0xbd: {  	s6 =	sshll.u32 s28, $0x1;
	[dreg:$0x2] =	wrdreg s4  }
0xbe: {  	[dreg:$0x3] =	wrdreg s6  }
0xbf: {  	[dreg:$0x4] =	wrdreg $0xC0  }
0xc0: {  	_ =	task [dreg:s22], $0x5FFFF  }
0xc1: {  	[dreg:$0x1] =	wrdreg $0xFFFFFFFF  }
0xc2: {  	[dreg:$0x0] =	wrdreg $0x60  }
0xc3: {  	[dreg:$0x2] =	wrdreg s24  }
0xc4: {  	[dreg:$0x3] =	wrdreg s17  }
0xc5: {  	[dreg:$0x4] =	wrdreg $0xA  }
0xc6: {  	_ =	task.clear_ibuf [dreg:s22], $0x5FFFF;
	_ =	strace $0x90000049  }
0xc7: {  	s29 =	simm.s32 $0xA;
	_ =	strace $0x8000004B  }
0xc8: {  	_ =	swait.ge [sflag:s29], $0x1  }
0xc9: {  	[sflag:s29] =	ssyncadd.s32 $0xFFFFFFFF  }
0xca: {  	_ =	strace $0x9000004B  }
0xcb: {  	_ =	sfence  }
0xcc: {  	s30 =	sld [smem:$0x0];
	_ =	sdelay $0x2  }
0xcd: {  	s31 =	sshll.u32 s1, $0xD;
	s1 =	sshrl.u32 s1, $0x2  }
0xce: {  	s4 =	sand.u32 $0x4000, s31;
	s1 =	sadd.s32 s1, s30  }
0xcf: {  	s0 =	sor.u32 s4, s0;
	s1 =	sshll.u32 s1, $0x11  }
0xd0: {  	s0 =	sor.u32 s1, s0  }
0xd1: {  	s0 =	sadd.s32 $0x8F2B, s0  }
0xd2: {  	[sflag:s0] =	ssyncadd.remote.s32 $0x1  }
0xd3: {  	_ =	sfence.sel $0xFFFF  }
0xd4: {  	[dreg:$0x0] =	wrdreg $0xFFFFFFFF;
	(pc) =	sbr.abs _section_cstart, $3  }
0xd5: {  	[dreg:$0x1] =	wrdreg $0xFFFFFFFF  }
0xd6: {  	_ =	task.clear_ibuf [dreg:s22], $0x2FFFF;
	_ =	strace $0x9FFFFFFF  }
0xd7: {  	(tm) =	ssettm $0x7FFFFFFF  }
tec
execute0_lowered:
.L_overlay_start_1:
0x0: {  	(tag) =	ssettag $0x1  }
0x1: {  	s0 =	rddreg [dreg:$0x0]  }
0x2: {  	s1 =	rddreg [dreg:$0x1];
	s3 =	srdreg.scid  }
0x3: {  	s10 =	stileid.u32;
	s2 =	simm.s32 $0x0;
	s28 =	simm.s32 $0x19C00  }
0x4: {  	s29 =	simm.s32 $0x1;
	s30 =	simm.s32 $0x2;
	s16 =	smul.u32 $0x70, s10  }
0x5: {  	s31 =	simm.s32 $0x3;
	s5 =	sand.u32 $0x1, s3;
	s22 =	smul.u32 $0x38000, s10  }
0x6: {  	s12 =	sshll.u32 s10, $0x1;
	[smem:$0x7FF] =	sst s2;
	s19 =	smul.u32 $0x38, s5  }
0x7: {  	s4 =	sor.u32 s5, s12;
	s6 =	ssub.s32 $0x2, s5;
	s5 =	smul.u32 $0x1C000, s5  }
0x8: {  	s3 =	sadd.s32 $0x12000, s0;
	_ =	strace $0x8000004A;
	s7 =	smul.u32 $0xE0000, s4  }
0x9: {  	s8 =	sshrl.u32 s6, $0x1;
	s9 =	smul.u32 $0x380, s4;
	s4 =	sadd.s32 $0x198A00, s0  }
0xa: {  	s13 =	ssub.s32 s6, s8;
	s6 =	sadd.s32 s19, s16;
	s26 =	sadd.s32 s5, s22  }
0xb: {  	s16 =	simm.s32 $0x1C00;
	s19 =	simm.s32 $0x9C00;
	s22 =	simm.s32 $0x8  }
0xc: {  	s5 =	simm.s32 $0xB;
	s1 =	sadd.s32 s1, s9;
	[dreg:$0x4] =	wrdreg s26  }
0xd: {  	s14 =	sshrl.u32 s7, $0x3;
	s0 =	smax.u32 s13, $0x1;
	[dreg:$0x5] =	wrdreg s1  }
0xe: {  	s25 =	sshll.u32 s6, $0xB;
	s15 =	sadd.s32 s4, s14;
	[dreg:$0xd] =	wrdreg s0  }
0xf: {  	s8 =	simm.s32 $0xE;
	[dreg:$0x3] =	wrdreg s25;
	s17 =	sadd.s32 $0x18800, s15  }
0x10: {  	s26 =	simm.s32 $0xA;
	s18 =	sadd.s32 $0x19000, s15;
	[dreg:$0x6] =	wrdreg s17  }
0x11: {  	s6 =	simm.s32 $0xC;
	s20 =	sadd.s32 $0x19800, s15;
	[dreg:$0x7] =	wrdreg s18  }
0x12: {  	s7 =	simm.s32 $0xD;
	s21 =	sadd.s32 $0x1A000, s15;
	[dreg:$0x8] =	wrdreg s20  }
0x13: {  	s9 =	simm.s32 $0x0;
	s23 =	sadd.s32 $0x1A800, s15;
	[dreg:$0x9] =	wrdreg s21  }
0x14: {  	s25 =	simm.s32 $0x15C00;
	s24 =	sadd.s32 $0x1B000, s15;
	[dreg:$0xa] =	wrdreg s23  }
0x15: {  	s0 =	simm.s32 $0x4;
	s1 =	sadd.s32 $0x1B800, s15;
	[dreg:$0xb] =	wrdreg s24  }
0x16: {  	s15 =	simm.s32 $0x80;
	[dreg:$0xc] =	wrdreg s1;
	s17 =	simm.s32 $0x5C00  }
0x17: {  	s21 =	simm.s32 $0xDC00;
	s23 =	simm.s32 $0x11C00;
	s1 =	simm.s32 $0x5  }
0x18: {  	s18 =	simm.s32 $0x6;
	s20 =	simm.s32 $0x7;
	s24 =	simm.s32 $0x9  }
.LBB2_1:
0x19: {  	s10 =	rddreg [dreg:$0x5];
	s12 =	simm.s32 $0xF  }
0x1a: {  	[tilespmem:s2], [sflag:$0xF] =	stream.linear.gather [hbm4b:s10+s2], $0x1C00, $0x38;
	[tilespmem:$0x1DC00] =	vst v63  }
0x1b: {  	_ =	swait.ge [sflag:s12], $0x1C00  }
0x1c: {  	[sflag:s12] =	ssyncset.done $0x0  }
0x1d: {  	[sflag:s12] =	ssyncadd.s32 $0xFFFFE400  }
0x1e: {  	[tilespmem:s16], [sflag:$0x1] =	stream.indirect.gather [hbm4b:s3+s15], $0x80, s2, s15, $0xb8;
	[tilespmem:$0x1DC00] =	vst v63  }
0x1f: {  	_ = 	snop  }
0x20: {  	[tilespmem:s17], [sflag:$0x2] =	stream.indirect.gather [hbm4b:s3+s15], $0x80, s15, s15, $0xb8;
	[tilespmem:$0x1DC00] =	vst v63  }
0x21: {  	s13 =	simm.s32 $0x100  }
0x22: {  	[tilespmem:s19], [sflag:$0x3] =	stream.indirect.gather [hbm4b:s3+s15], $0x80, s13, s15, $0xb8;
	[tilespmem:$0x1DC00] =	vst v63  }
0x23: {  	s14 =	simm.s32 $0x180  }
0x24: {  	[tilespmem:s21], [sflag:$0x4] =	stream.indirect.gather [hbm4b:s3+s15], $0x80, s14, s15, $0xb8;
	[tilespmem:$0x1DC00] =	vst v63  }
0x25: {  	s11 =	simm.s32 $0x200  }
0x26: {  	[tilespmem:s23], [sflag:$0x5] =	stream.indirect.gather [hbm4b:s3+s15], $0x80, s11, s15, $0xb8;
	[tilespmem:$0x1DC00] =	vst v63  }
0x27: {  	s12 =	simm.s32 $0x280  }
0x28: {  	[tilespmem:s25], [sflag:$0x6] =	stream.indirect.gather [hbm4b:s3+s15], $0x80, s12, s15, $0xb8;
	[tilespmem:$0x1DC00] =	vst v63  }
0x29: {  	s13 =	simm.s32 $0x300  }
0x2a: {  	[tilespmem:s28], [sflag:$0x7] =	stream.indirect.gather [hbm4b:s3+s15], $0x80, s13, s15, $0xb8;
	[tilespmem:$0x1DC00] =	vst v63  }
0x2b: {  	_ =	swait.ge [sflag:s29], $0x4000  }
0x2c: {  	s14 =	rddreg [dreg:$0x4];
	[sflag:s29] =	ssyncset.done $0x0  }
0x2d: {  	[sflag:s29] =	ssyncadd.s32 $0xFFFFC000;
	s10 =	sadd.s32 s4, s14  }
0x2e: {  	[hbm4b:s10+s2] =	stream.linear.scatter [tilespmem:s16], [sflag:$0x8], $0x4000, $0x38;
	[tilespmem:$0x1DC00] =	vst v63  }
0x2f: {  	_ =	swait.ge [sflag:s30], $0x4000  }
0x30: {  	s11 =	rddreg [dreg:$0x3]  }
0x31: {  	[sflag:s30] =	ssyncset.done $0x0;
	s10 =	sadd.s32 s4, s11  }
0x32: {  	[sflag:s30] =	ssyncadd.s32 $0xFFFFC000;
	s11 =	sadd.s32 $0x800, s10  }
0x33: {  	[hbm4b:s11+s2] =	stream.linear.scatter [tilespmem:s17], [sflag:$0x9], $0x4000, $0x38;
	[tilespmem:$0x1DC00] =	vst v63  }
0x34: {  	_ =	swait.ge [sflag:s31], $0x4000  }
0x35: {  	[sflag:s31] =	ssyncset.done $0x0  }
0x36: {  	s12 =	sadd.s32 $0x1000, s10;
	[sflag:s31] =	ssyncadd.s32 $0xFFFFC000  }
0x37: {  	[hbm4b:s12+s2] =	stream.linear.scatter [tilespmem:s19], [sflag:$0xA], $0x4000, $0x38;
	[tilespmem:$0x1DC00] =	vst v63  }
0x38: {  	_ =	swait.ge [sflag:s0], $0x4000  }
0x39: {  	[sflag:s0] =	ssyncset.done $0x0  }
0x3a: {  	s13 =	sadd.s32 $0x1800, s10;
	[sflag:s0] =	ssyncadd.s32 $0xFFFFC000  }
0x3b: {  	[hbm4b:s13+s2] =	stream.linear.scatter [tilespmem:s21], [sflag:$0xB], $0x4000, $0x38;
	[tilespmem:$0x1DC00] =	vst v63  }
0x3c: {  	_ =	swait.ge [sflag:s1], $0x4000  }
0x3d: {  	[sflag:s1] =	ssyncset.done $0x0  }
0x3e: {  	s14 =	sadd.s32 $0x2000, s10;
	[sflag:s1] =	ssyncadd.s32 $0xFFFFC000  }
0x3f: {  	[hbm4b:s14+s2] =	stream.linear.scatter [tilespmem:s23], [sflag:$0xC], $0x4000, $0x38;
	[tilespmem:$0x1DC00] =	vst v63  }
0x40: {  	_ =	swait.ge [sflag:s18], $0x4000  }
0x41: {  	[sflag:s18] =	ssyncset.done $0x0  }
0x42: {  	s12 =	sadd.s32 $0x2800, s10;
	[sflag:s18] =	ssyncadd.s32 $0xFFFFC000  }
0x43: {  	[hbm4b:s12+s2] =	stream.linear.scatter [tilespmem:s25], [sflag:$0xD], $0x4000, $0x38;
	[tilespmem:$0x1DC00] =	vst v63  }
0x44: {  	_ =	swait.ge [sflag:s20], $0x4000  }
0x45: {  	[sflag:s20] =	ssyncset.done $0x0  }
0x46: {  	s10 =	sadd.s32 $0x3000, s10;
	[sflag:s20] =	ssyncadd.s32 $0xFFFFC000  }
0x47: {  	[hbm4b:s10+s2] =	stream.linear.scatter [tilespmem:s28], [sflag:$0xE], $0x4000, $0x38;
	[tilespmem:$0x1DC00] =	vst v63  }
0x48: {  	_ =	swait.ge [sflag:s22], $0x4000  }
0x49: {  	[sflag:s22] =	ssyncset.done $0x0  }
0x4a: {  	s13 =	simm.s32 $0x380;
	[sflag:s22] =	ssyncadd.s32 $0xFFFFC000  }
0x4b: {  	[tilespmem:s16], [sflag:$0x1] =	stream.indirect.gather [hbm4b:s3+s15], $0x80, s13, s15, $0xb8;
	[tilespmem:$0x1DC00] =	vst v63  }
0x4c: {  	_ =	swait.ge [sflag:s24], $0x4000  }
0x4d: {  	[sflag:s24] =	ssyncset.done $0x0  }
0x4e: {  	s14 =	simm.s32 $0x400;
	[sflag:s24] =	ssyncadd.s32 $0xFFFFC000  }
0x4f: {  	[tilespmem:s17], [sflag:$0x2] =	stream.indirect.gather [hbm4b:s3+s15], $0x80, s14, s15, $0xb8;
	[tilespmem:$0x1DC00] =	vst v63  }
0x50: {  	_ =	swait.ge [sflag:s26], $0x4000  }
0x51: {  	[sflag:s26] =	ssyncset.done $0x0  }
0x52: {  	s11 =	simm.s32 $0x480;
	[sflag:s26] =	ssyncadd.s32 $0xFFFFC000  }
0x53: {  	[tilespmem:s19], [sflag:$0x3] =	stream.indirect.gather [hbm4b:s3+s15], $0x80, s11, s15, $0xb8;
	[tilespmem:$0x1DC00] =	vst v63  }
0x54: {  	_ =	swait.ge [sflag:s5], $0x4000  }
0x55: {  	[sflag:s5] =	ssyncset.done $0x0  }
0x56: {  	s12 =	simm.s32 $0x500;
	[sflag:s5] =	ssyncadd.s32 $0xFFFFC000  }
0x57: {  	[tilespmem:s21], [sflag:$0x4] =	stream.indirect.gather [hbm4b:s3+s15], $0x80, s12, s15, $0xb8;
	[tilespmem:$0x1DC00] =	vst v63  }
0x58: {  	_ =	swait.ge [sflag:s6], $0x4000  }
0x59: {  	[sflag:s6] =	ssyncset.done $0x0  }
0x5a: {  	s13 =	simm.s32 $0x580;
	[sflag:s6] =	ssyncadd.s32 $0xFFFFC000  }
0x5b: {  	[tilespmem:s23], [sflag:$0x5] =	stream.indirect.gather [hbm4b:s3+s15], $0x80, s13, s15, $0xb8;
	[tilespmem:$0x1DC00] =	vst v63  }
0x5c: {  	_ =	swait.ge [sflag:s7], $0x4000  }
0x5d: {  	[sflag:s7] =	ssyncset.done $0x0  }
0x5e: {  	s14 =	simm.s32 $0x600;
	[sflag:s7] =	ssyncadd.s32 $0xFFFFC000  }
0x5f: {  	[tilespmem:s25], [sflag:$0x6] =	stream.indirect.gather [hbm4b:s3+s15], $0x80, s14, s15, $0xb8;
	[tilespmem:$0x1DC00] =	vst v63  }
0x60: {  	_ =	swait.ge [sflag:s8], $0x4000  }
0x61: {  	s10 =	simm.s32 $0xE00;
	[sflag:s8] =	ssyncset.done $0x0  }
0x62: {  	s11 =	sadd.s32 $0x3800, s4;
	s12 =	simm.s32 $0x680;
	[sflag:s8] =	ssyncadd.s32 $0xFFFFC000  }
.LBB2_2:
0x63: {  	[tilespmem:s28], [sflag:$0x7] =	stream.indirect.gather [hbm4b:s3+s15], $0x80, s12, s15, $0xb8;
	[tilespmem:$0x1DC00] =	vst v63  }
0x64: {  	_ =	swait.ge [sflag:s29], $0x4000  }
0x65: {  	s13 =	rddreg [dreg:$0x4];
	[sflag:s29] =	ssyncset.done $0x0  }
0x66: {  	[sflag:s29] =	ssyncadd.s32 $0xFFFFC000;
	s13 =	sadd.s32 s11, s13  }
0x67: {  	[hbm4b:s13+s2] =	stream.linear.scatter [tilespmem:s16], [sflag:$0x8], $0x4000, $0x38;
	[tilespmem:$0x1DC00] =	vst v63  }
0x68: {  	_ =	swait.ge [sflag:s30], $0x4000  }
0x69: {  	s14 =	rddreg [dreg:$0x3]  }
0x6a: {  	[sflag:s30] =	ssyncset.done $0x0;
	s13 =	sadd.s32 s11, s14  }
0x6b: {  	[sflag:s30] =	ssyncadd.s32 $0xFFFFC000;
	s14 =	sadd.s32 $0x800, s13  }
0x6c: {  	[hbm4b:s14+s2] =	stream.linear.scatter [tilespmem:s17], [sflag:$0x9], $0x4000, $0x38;
	[tilespmem:$0x1DC00] =	vst v63  }
0x6d: {  	_ =	swait.ge [sflag:s31], $0x4000  }
0x6e: {  	[sflag:s31] =	ssyncset.done $0x0  }
0x6f: {  	s14 =	sadd.s32 $0x1000, s13;
	[sflag:s31] =	ssyncadd.s32 $0xFFFFC000  }
0x70: {  	[hbm4b:s14+s2] =	stream.linear.scatter [tilespmem:s19], [sflag:$0xA], $0x4000, $0x38;
	[tilespmem:$0x1DC00] =	vst v63  }
0x71: {  	_ =	swait.ge [sflag:s0], $0x4000  }
0x72: {  	[sflag:s0] =	ssyncset.done $0x0  }
0x73: {  	s14 =	sadd.s32 $0x1800, s13;
	[sflag:s0] =	ssyncadd.s32 $0xFFFFC000  }
0x74: {  	[hbm4b:s14+s2] =	stream.linear.scatter [tilespmem:s21], [sflag:$0xB], $0x4000, $0x38;
	[tilespmem:$0x1DC00] =	vst v63  }
0x75: {  	_ =	swait.ge [sflag:s1], $0x4000  }
0x76: {  	[sflag:s1] =	ssyncset.done $0x0  }
0x77: {  	s14 =	sadd.s32 $0x2000, s13;
	[sflag:s1] =	ssyncadd.s32 $0xFFFFC000  }
0x78: {  	[hbm4b:s14+s2] =	stream.linear.scatter [tilespmem:s23], [sflag:$0xC], $0x4000, $0x38;
	[tilespmem:$0x1DC00] =	vst v63  }
0x79: {  	_ =	swait.ge [sflag:s18], $0x4000  }
0x7a: {  	[sflag:s18] =	ssyncset.done $0x0  }
0x7b: {  	s14 =	sadd.s32 $0x2800, s13;
	[sflag:s18] =	ssyncadd.s32 $0xFFFFC000  }
0x7c: {  	[hbm4b:s14+s2] =	stream.linear.scatter [tilespmem:s25], [sflag:$0xD], $0x4000, $0x38;
	[tilespmem:$0x1DC00] =	vst v63  }
0x7d: {  	_ =	swait.ge [sflag:s20], $0x4000  }
0x7e: {  	[sflag:s20] =	ssyncset.done $0x0  }
0x7f: {  	s13 =	sadd.s32 $0x3000, s13;
	[sflag:s20] =	ssyncadd.s32 $0xFFFFC000  }
0x80: {  	[hbm4b:s13+s2] =	stream.linear.scatter [tilespmem:s28], [sflag:$0xE], $0x4000, $0x38;
	[tilespmem:$0x1DC00] =	vst v63  }
0x81: {  	s12 =	smov.u32 s10;
	_ =	swait.ge [sflag:s22], $0x4000  }
0x82: {  	s12 =	sshra.s32 s12, $0x2;
	[sflag:s22] =	ssyncset.done $0x0  }
0x83: {  	s14 =	sadd.s32 $0x380, s12;
	[sflag:s22] =	ssyncadd.s32 $0xFFFFC000  }
0x84: {  	[tilespmem:s16], [sflag:$0x1] =	stream.indirect.gather [hbm4b:s3+s15], $0x80, s14, s15, $0xb8;
	[tilespmem:$0x1DC00] =	vst v63  }
0x85: {  	_ =	swait.ge [sflag:s24], $0x4000  }
0x86: {  	[sflag:s24] =	ssyncset.done $0x0  }
0x87: {  	s14 =	sadd.s32 $0x400, s12;
	[sflag:s24] =	ssyncadd.s32 $0xFFFFC000  }
0x88: {  	[tilespmem:s17], [sflag:$0x2] =	stream.indirect.gather [hbm4b:s3+s15], $0x80, s14, s15, $0xb8;
	[tilespmem:$0x1DC00] =	vst v63  }
0x89: {  	_ =	swait.ge [sflag:s26], $0x4000  }
0x8a: {  	[sflag:s26] =	ssyncset.done $0x0  }
0x8b: {  	s14 =	sadd.s32 $0x480, s12;
	[sflag:s26] =	ssyncadd.s32 $0xFFFFC000  }
0x8c: {  	[tilespmem:s19], [sflag:$0x3] =	stream.indirect.gather [hbm4b:s3+s15], $0x80, s14, s15, $0xb8;
	[tilespmem:$0x1DC00] =	vst v63  }
0x8d: {  	_ =	swait.ge [sflag:s5], $0x4000  }
0x8e: {  	[sflag:s5] =	ssyncset.done $0x0  }
0x8f: {  	s14 =	sadd.s32 $0x500, s12;
	[sflag:s5] =	ssyncadd.s32 $0xFFFFC000  }
0x90: {  	[tilespmem:s21], [sflag:$0x4] =	stream.indirect.gather [hbm4b:s3+s15], $0x80, s14, s15, $0xb8;
	[tilespmem:$0x1DC00] =	vst v63  }
0x91: {  	_ =	swait.ge [sflag:s6], $0x4000  }
0x92: {  	[sflag:s6] =	ssyncset.done $0x0  }
0x93: {  	s14 =	sadd.s32 $0x580, s12;
	[sflag:s6] =	ssyncadd.s32 $0xFFFFC000  }
0x94: {  	[tilespmem:s23], [sflag:$0x5] =	stream.indirect.gather [hbm4b:s3+s15], $0x80, s14, s15, $0xb8;
	[tilespmem:$0x1DC00] =	vst v63  }
0x95: {  	_ =	swait.ge [sflag:s7], $0x4000  }
0x96: {  	p0 =	sne.s32 s10, $0x5400;
	[sflag:s7] =	ssyncset.done $0x0  }
.Ltmp0:
0x97: {  	s14 =	sadd.s32 $0x600, s12;
	[sflag:s7] =	ssyncadd.s32 $0xFFFFC000;
	(pc) =	sbr.rel @p0 .LBB2_2-.Ltmp0, $4  }
0x98: {  	[tilespmem:s25], [sflag:$0x6] =	stream.indirect.gather [hbm4b:s3+s15], $0x80, s14, s15, $0xb8;
	[tilespmem:$0x1DC00] =	vst v63  }
0x99: {  	_ =	swait.ge [sflag:s8], $0x4000  }
0x9a: {  	s10 =	sadd.s32 $0xE00, s10;
	[sflag:s8] =	ssyncset.done $0x0  }
0x9b: {  	s11 =	sadd.s32 $0x3800, s11;
	s12 =	sadd.s32 $0x680, s12;
	[sflag:s8] =	ssyncadd.s32 $0xFFFFC000  }
0x9c: {  	[tilespmem:s28], [sflag:$0x7] =	stream.indirect.gather [hbm4b:s3+s15], $0x80, s12, s15, $0xb8;
	[tilespmem:$0x1DC00] =	vst v63  }
0x9d: {  	_ =	swait.ge [sflag:s29], $0x4000  }
0x9e: {  	[sflag:s29] =	ssyncset.done $0x0  }
0x9f: {  	s10 =	rddreg [dreg:$0x6];
	[sflag:s29] =	ssyncadd.s32 $0xFFFFC000  }
0xa0: {  	[hbm4b:s10+s2] =	stream.linear.scatter [tilespmem:s16], [sflag:$0x8], $0x4000, $0x38;
	[tilespmem:$0x1DC00] =	vst v63  }
0xa1: {  	_ =	swait.ge [sflag:s30], $0x4000  }
0xa2: {  	[sflag:s30] =	ssyncset.done $0x0  }
0xa3: {  	s12 =	rddreg [dreg:$0x7];
	[sflag:s30] =	ssyncadd.s32 $0xFFFFC000  }
0xa4: {  	[hbm4b:s12+s2] =	stream.linear.scatter [tilespmem:s17], [sflag:$0x9], $0x4000, $0x38;
	[tilespmem:$0x1DC00] =	vst v63  }
0xa5: {  	_ =	swait.ge [sflag:s31], $0x4000  }
0xa6: {  	[sflag:s31] =	ssyncset.done $0x0  }
0xa7: {  	s13 =	rddreg [dreg:$0x8];
	[sflag:s31] =	ssyncadd.s32 $0xFFFFC000  }
0xa8: {  	[hbm4b:s13+s2] =	stream.linear.scatter [tilespmem:s19], [sflag:$0xA], $0x4000, $0x38;
	[tilespmem:$0x1DC00] =	vst v63  }
0xa9: {  	_ =	swait.ge [sflag:s0], $0x4000  }
0xaa: {  	[sflag:s0] =	ssyncset.done $0x0  }
0xab: {  	s14 =	rddreg [dreg:$0x9];
	[sflag:s0] =	ssyncadd.s32 $0xFFFFC000  }
0xac: {  	[hbm4b:s14+s2] =	stream.linear.scatter [tilespmem:s21], [sflag:$0xB], $0x4000, $0x38;
	[tilespmem:$0x1DC00] =	vst v63  }
0xad: {  	_ =	swait.ge [sflag:s1], $0x4000  }
0xae: {  	[sflag:s1] =	ssyncset.done $0x0  }
0xaf: {  	s11 =	rddreg [dreg:$0xa];
	[sflag:s1] =	ssyncadd.s32 $0xFFFFC000  }
0xb0: {  	[hbm4b:s11+s2] =	stream.linear.scatter [tilespmem:s23], [sflag:$0xC], $0x4000, $0x38;
	[tilespmem:$0x1DC00] =	vst v63  }
0xb1: {  	_ =	swait.ge [sflag:s18], $0x4000  }
0xb2: {  	[sflag:s18] =	ssyncset.done $0x0  }
0xb3: {  	s12 =	rddreg [dreg:$0xb];
	[sflag:s18] =	ssyncadd.s32 $0xFFFFC000  }
0xb4: {  	[hbm4b:s12+s2] =	stream.linear.scatter [tilespmem:s25], [sflag:$0xD], $0x4000, $0x38;
	[tilespmem:$0x1DC00] =	vst v63  }
0xb5: {  	_ =	swait.ge [sflag:s20], $0x4000  }
0xb6: {  	[sflag:s20] =	ssyncset.done $0x0  }
0xb7: {  	s13 =	rddreg [dreg:$0xc];
	[sflag:s20] =	ssyncadd.s32 $0xFFFFC000  }
0xb8: {  	[hbm4b:s13+s2] =	stream.linear.scatter [tilespmem:s28], [sflag:$0xE], $0x4000, $0x38;
	[tilespmem:$0x1DC00] =	vst v63  }
0xb9: {  	_ =	swait.ge [sflag:s22], $0x4000  }
0xba: {  	[sflag:s22] =	ssyncset.done $0x0  }
0xbb: {  	[sflag:s22] =	ssyncadd.s32 $0xFFFFC000  }
0xbc: {  	_ =	swait.ge [sflag:s24], $0x4000  }
0xbd: {  	[sflag:s24] =	ssyncset.done $0x0  }
0xbe: {  	[sflag:s24] =	ssyncadd.s32 $0xFFFFC000  }
0xbf: {  	_ =	swait.ge [sflag:s26], $0x4000  }
0xc0: {  	[sflag:s26] =	ssyncset.done $0x0  }
0xc1: {  	[sflag:s26] =	ssyncadd.s32 $0xFFFFC000  }
0xc2: {  	_ =	swait.ge [sflag:s5], $0x4000  }
0xc3: {  	[sflag:s5] =	ssyncset.done $0x0  }
0xc4: {  	[sflag:s5] =	ssyncadd.s32 $0xFFFFC000  }
0xc5: {  	_ =	swait.ge [sflag:s6], $0x4000  }
0xc6: {  	[sflag:s6] =	ssyncset.done $0x0  }
0xc7: {  	[sflag:s6] =	ssyncadd.s32 $0xFFFFC000  }
0xc8: {  	_ =	swait.ge [sflag:s7], $0x4000  }
0xc9: {  	[sflag:s7] =	ssyncset.done $0x0  }
0xca: {  	[sflag:s7] =	ssyncadd.s32 $0xFFFFC000  }
0xcb: {  	_ =	swait.ge [sflag:s8], $0x4000  }
0xcc: {  	s9 =	sadd.s32 $0x1, s9;
	s14 =	rddreg [dreg:$0xd]  }
0xcd: {  	p0 =	sne.s32 s9, s14  }
.Ltmp1:
0xce: {  	_ = 	snop;
	(pc) =	sbr.rel @p0 .LBB2_1-.Ltmp1, $3  }
0xcf: {  	_ =	sdelay $0x1  }
0xd0: {  	[sflag:s8] =	ssyncset.done $0x0  }
0xd1: {  	[sflag:s8] =	ssyncadd.s32 $0xFFFFC000  }
0xd2: {  	_ =	sfence.sel $0x180000  }
0xd3: {  	[bflag:$0x0] =	sbarrier.arrive $0xFFFF  }
0xd4: {  	_ =	strace $0x9000004A  }
0xd5: {  	s0 =	stileid.u32;
	[bflag:$0x2] =	sbarrier.arrive $0xFFFF  }
0xd6: {  	p0 =	sne.s32 s0, $0x0;
	s0 =	rddreg [dreg:$0x2]  }
0xd7: {  	s0 =	sadd.s32 @!p0 $0x100000, s0  }
0xd8: {  	[sflag:s0] =	ssyncadd.tile.s32 @!p0 $0x1;
	_ =	shalt  }
.Lfunc_end2:
_tile_overlayer_lowered:
.L_overlay_start_2:
0xd9: {  	(tag) =	ssettag $0x2  }
0xda: {  	s0 =	rddreg [dreg:$0x0];
	s2 =	stileid.u32  }
0xdb: {  	s1 =	rddreg [dreg:$0x1];
	p0 =	sne.s32 s2, $0x0  }
0xdc: {  	s3 =	rddreg [dreg:$0x2];
	[bflag:$0x3] =	sbarrier.arrive $0xFFFF;
	s2 =	simm.s32 @!p0 $0x1C0F  }
0xdd: {  	[timem:s3], [sflag:s2] =	dma.local @!p0 [hbm:s0], s1  }
0xde: {  	s0 =	simm.s32 @!p0 $0xF  }
0xdf: {  	_ =	swait.ge @!p0 [sflag:s0], s1  }
0xe0: {  	s1 =	ssub.s32 @!p0 $0x0, s1;
	[sflag:s0] =	ssyncset.done @!p0 $0x0  }
0xe1: {  	[sflag:s0] =	ssyncadd.s32 @!p0 s1  }
0xe2: {  	[bflag:$0x3] =	sbarrier.arrive $0xFFFF  }
0xe3: {  	_ =	shalt  }

</sc_bundles>
